<compile_context>
chip_gen: v7x
topology: tpu7x:2x2x1
jax: 0.10.2.dev20260603
libtpu: 0.0.44.dev20260713+nightly
codegen_flags: <defaults>
</compile_context>

<pallas_src>
import functools

import numpy as np

import jax
import jax.numpy as jnp
from jax import lax
from jax.experimental import pallas as pl
from jax.experimental.pallas import tpu as pltpu
from jax.experimental.pallas import tpu_sc as plsc

_ROWS, _COLS = 16384, 1024
_NC, _NS = 2, 16
_NW = _NC * _NS
_ROWS_W = _ROWS // _NW
_CH_ROWS = 16
_CHUNK = _CH_ROWS * _COLS
_NCHUNK = _ROWS_W // _CH_ROWS
_LANES = 16
_UNROLL = 8
_BOUNDS = [-3.0, -2.8, -2.6, -2.4, -2.2, -2.0, -1.8, -1.6, -1.4, -1.2,
           -1.0, -0.8, -0.6, -0.4, -0.2, 0.0, 0.2, 0.4, 0.6, 0.8, 1.0,
           1.2, 1.4, 1.6, 1.8, 2.0, 2.2, 2.4, 2.6, 2.8, 3.0, float("inf")]

_SCALE = np.float32(5.0)
_SHIFT = np.float32(15.9999)
_ZERO = np.float32(0.0)
_TOPF = np.float32(31.0)


def _bucketize_vec(v, tab_v):
    t = v * _SCALE + _SHIFT
    t = jnp.minimum(jnp.maximum(t, _ZERO), _TOPF)
    c = t.astype(jnp.int32)
    g = plsc.load_gather(tab_v, [c])
    return c + (v >= g).astype(jnp.int32)


def _compute_chunk(in_v, out_v, b, tab_v):
    @plsc.parallel_loop(0, _CHUNK, _LANES, unroll=_UNROLL)
    def vec_body(o):
        r = o >> 10
        col = o & (_COLS - 1)
        v = in_v[b, r, pl.ds(col, _LANES)]
        out_v[b, r, pl.ds(col, _LANES)] = _bucketize_vec(v, tab_v)


def _body(x_hbm, tab_hbm, out_hbm, in_v, out_v, tab_v,
          isem0, isem1, osem0, osem1):
    wid = lax.axis_index("s") * _NC + lax.axis_index("c")
    row0 = wid * _ROWS_W
    isem = (isem0, isem1)
    osem = (osem0, osem1)

    def in_slice(g):
        return x_hbm.at[pl.ds(row0 + g * _CH_ROWS, _CH_ROWS), :]

    def out_slice(g):
        return out_hbm.at[pl.ds(row0 + g * _CH_ROWS, _CH_ROWS), :]

    for b in (0, 1):
        pltpu.async_copy(in_slice(b), in_v.at[b], isem[b])
    pltpu.sync_copy(tab_hbm, tab_v)

    for b in (0, 1):
        pltpu.make_async_copy(in_slice(b), in_v.at[b], isem[b]).wait()
        _compute_chunk(in_v, out_v, b, tab_v)
        pltpu.async_copy(out_v.at[b], out_slice(b), osem[b])
        pltpu.async_copy(in_slice(b + 2), in_v.at[b], isem[b])

    def pair(p, _):
        for b in (0, 1):
            g = 2 * p + b
            pltpu.make_async_copy(in_slice(g), in_v.at[b], isem[b]).wait()
            pltpu.make_async_copy(out_v.at[b], out_slice(g), osem[b]).wait()
            _compute_chunk(in_v, out_v, b, tab_v)
            pltpu.async_copy(out_v.at[b], out_slice(g), osem[b])
            pltpu.async_copy(in_slice(g + 2), in_v.at[b], isem[b])
        return 0

    lax.fori_loop(1, _NCHUNK // 2 - 1, pair, 0)

    for b in (0, 1):
        g = _NCHUNK - 2 + b
        pltpu.make_async_copy(in_slice(g), in_v.at[b], isem[b]).wait()
        pltpu.make_async_copy(out_v.at[b], out_slice(g), osem[b]).wait()
        _compute_chunk(in_v, out_v, b, tab_v)
        pltpu.async_copy(out_v.at[b], out_slice(g), osem[b])
    for b in (0, 1):
        g = _NCHUNK - 2 + b
        pltpu.make_async_copy(out_v.at[b], out_slice(g), osem[b]).wait()


@functools.partial(jax.jit)
def _run(x, table):
    mesh = plsc.VectorSubcoreMesh(core_axis_name="c", subcore_axis_name="s")
    ker = functools.partial(
        pl.kernel,
        mesh=mesh,
        out_type=jax.ShapeDtypeStruct((_ROWS, _COLS), jnp.int32),
        scratch_types=[
            pltpu.VMEM((2, _CH_ROWS, _COLS), jnp.float32),
            pltpu.VMEM((2, _CH_ROWS, _COLS), jnp.int32),
            pltpu.VMEM((len(_BOUNDS),), jnp.float32),
            pltpu.SemaphoreType.DMA,
            pltpu.SemaphoreType.DMA,
            pltpu.SemaphoreType.DMA,
            pltpu.SemaphoreType.DMA,
        ],
        compiler_params=pltpu.CompilerParams(needs_layout_passes=False),
    )(_body)
    return ker(x, table)


def kernel(x):
    table = np.asarray(_BOUNDS, dtype=np.float32)
    return _run(x, table)

# --- scband reference (transcript-rebuilt; emitter-appended) ---
"""Pipeline reference for scband-bucketize-4389456576939 (READ-ONLY COPY).

The authoritative reference and input builder live on the scoring server;
editing this copy changes nothing except your own understanding.
"""

import jax, jax.numpy as jnp
import numpy as np

BOUNDARIES = jnp.array([-3.0, -2.8, -2.6, -2.4, -2.2, -2.0, -1.8, -1.6, -1.4, -1.2, -1.0, -0.8, -0.6, -0.4, -0.2, 0.0, 0.2, 0.4, 0.6, 0.8, 1.0, 1.2, 1.4, 1.6, 1.8, 2.0, 2.2, 2.4, 2.6, 2.8, 3.0], dtype=jnp.float32)


def setup_inputs(seed: int = 0) -> dict:
    key = jax.random.key(seed)
    x = jax.random.normal(key, (16384, 1024), dtype=jnp.float32)
    return {"x": x}


def reference(x):
    # tf.raw_ops.Bucketize: element goes to bucket i such that
    # boundaries[i-1] <= x < boundaries[i]; equal values go right,
    # which matches searchsorted with side='right'. Output is int32.
    return jnp.searchsorted(BOUNDARIES, x, side='right').astype(jnp.int32)

if __name__ == "__main__":
    import jax
    _d = setup_inputs()
    print(jax.jit(kernel)(*tuple(_d.values())))

</pallas_src>

<mosaic_0001>
#map = affine_map<(d0, d1) -> (0, 0)>
#map1 = affine_map<(d0, d1) -> (0)>
module attributes {stable_mosaic.version = 14 : i64} {
  func.func @_body(%arg0: i32, %arg1: i32, %arg2: memref<16384x1024xf32, #tpu.memory_space<hbm>>, %arg3: memref<32xf32, #tpu.memory_space<hbm>>, %arg4: memref<16384x1024xi32, #tpu.memory_space<hbm>>, %arg5: memref<2x16x1024xf32, #tpu.memory_space<vmem>>, %arg6: memref<2x16x1024xi32, #tpu.memory_space<vmem>>, %arg7: memref<32xf32, #tpu.memory_space<vmem>>, %arg8: memref<!tpu.dma_semaphore, #tpu.memory_space<semaphore_mem>>, %arg9: memref<!tpu.dma_semaphore, #tpu.memory_space<semaphore_mem>>, %arg10: memref<!tpu.dma_semaphore, #tpu.memory_space<semaphore_mem>>, %arg11: memref<!tpu.dma_semaphore, #tpu.memory_space<semaphore_mem>>) attributes {dimension_semantics = [#tpu.dimension_semantics<core_parallel>, #tpu.dimension_semantics<subcore_parallel>], iteration_bounds = array<i64: 2, 16>, scalar_prefetch = 0 : i64, scratch_operands = 7 : i64, tpu.core_type = #tpu.core_type<sc_vector_subcore>, window_params = [{transform_indices = #map}, {transform_indices = #map1}, {transform_indices = #map}]} {
    %mul3A = arith.constant 2 : i32
    %mul3A_0 = arith.muli %arg1, %mul3A : i32
    %add3A = arith.addi %mul3A_0, %arg0 : i32
    %mul3A_1 = arith.constant 512 : i32
    %mul3A_2 = arith.muli %add3A, %mul3A_1 : i32
    %add3A_3 = arith.constant 0 : i32
    %add3A_4 = arith.addi %mul3A_2, %add3A_3 : i32
    %dma_start3A = arith.constant 0 : i32
    %dma_start3A_5 = arith.constant 0 : i32
    %dma_start3A_6 = arith.constant 0 : i32
    %dma_start3A_7 = tpu.memref_slice %arg5[%dma_start3A, %dma_start3A_5, %dma_start3A_6] : memref<2x16x1024xf32, #tpu.memory_space<vmem>> -> memref<1x16x1024xf32, #tpu.memory_space<vmem>>
    %dma_start3A_8 = tpu.memref_squeeze %dma_start3A_7 : memref<1x16x1024xf32, #tpu.memory_space<vmem>> -> memref<16x1024xf32, #tpu.memory_space<vmem>>
    %dma_start3A_9 = arith.constant 0 : i32
    %dma_start3A_10 = tpu.memref_slice %arg2[%add3A_4, %dma_start3A_9] : memref<16384x1024xf32, #tpu.memory_space<hbm>> -> memref<16x1024xf32, #tpu.memory_space<hbm>>
    %dma_start3A_11 = arith.constant 0 : i32
    %dma_start3A_12 = arith.constant 0 : i32
    %dma_start3A_13 = tpu.memref_slice %arg5[%dma_start3A, %dma_start3A_11, %dma_start3A_12] : memref<2x16x1024xf32, #tpu.memory_space<vmem>> -> memref<1x16x1024xf32, #tpu.memory_space<vmem>>
    %dma_start3A_14 = tpu.memref_squeeze %dma_start3A_13 : memref<1x16x1024xf32, #tpu.memory_space<vmem>> -> memref<16x1024xf32, #tpu.memory_space<vmem>>
    %dma_start3A_15 = arith.constant 0 : i32
    %dma_start3A_16 = tpu.memref_slice %arg2[%add3A_4, %dma_start3A_15] : memref<16384x1024xf32, #tpu.memory_space<hbm>> -> memref<16x1024xf32, #tpu.memory_space<hbm>>
    tpu.enqueue_dma source(%dma_start3A_16 : memref<16x1024xf32, #tpu.memory_space<hbm>>) target(%dma_start3A_14 : memref<16x1024xf32, #tpu.memory_space<vmem>>) target_semaphore(%arg8 : memref<!tpu.dma_semaphore, #tpu.memory_space<semaphore_mem>>)
    %add3A_17 = arith.constant 16 : i32
    %add3A_18 = arith.addi %mul3A_2, %add3A_17 : i32
    %dma_start3A_19 = arith.constant 1 : i32
    %dma_start3A_20 = arith.constant 0 : i32
    %dma_start3A_21 = arith.constant 0 : i32
    %dma_start3A_22 = tpu.memref_slice %arg5[%dma_start3A_19, %dma_start3A_20, %dma_start3A_21] : memref<2x16x1024xf32, #tpu.memory_space<vmem>> -> memref<1x16x1024xf32, #tpu.memory_space<vmem>>
    %dma_start3A_23 = tpu.memref_squeeze %dma_start3A_22 : memref<1x16x1024xf32, #tpu.memory_space<vmem>> -> memref<16x1024xf32, #tpu.memory_space<vmem>>
    %dma_start3A_24 = arith.constant 0 : i32
    %dma_start3A_25 = tpu.memref_slice %arg2[%add3A_18, %dma_start3A_24] : memref<16384x1024xf32, #tpu.memory_space<hbm>> -> memref<16x1024xf32, #tpu.memory_space<hbm>>
    %dma_start3A_26 = arith.constant 0 : i32
    %dma_start3A_27 = arith.constant 0 : i32
    %dma_start3A_28 = tpu.memref_slice %arg5[%dma_start3A_19, %dma_start3A_26, %dma_start3A_27] : memref<2x16x1024xf32, #tpu.memory_space<vmem>> -> memref<1x16x1024xf32, #tpu.memory_space<vmem>>
    %dma_start3A_29 = tpu.memref_squeeze %dma_start3A_28 : memref<1x16x1024xf32, #tpu.memory_space<vmem>> -> memref<16x1024xf32, #tpu.memory_space<vmem>>
    %dma_start3A_30 = arith.constant 0 : i32
    %dma_start3A_31 = tpu.memref_slice %arg2[%add3A_18, %dma_start3A_30] : memref<16384x1024xf32, #tpu.memory_space<hbm>> -> memref<16x1024xf32, #tpu.memory_space<hbm>>
    tpu.enqueue_dma source(%dma_start3A_31 : memref<16x1024xf32, #tpu.memory_space<hbm>>) target(%dma_start3A_29 : memref<16x1024xf32, #tpu.memory_space<vmem>>) target_semaphore(%arg9 : memref<!tpu.dma_semaphore, #tpu.memory_space<semaphore_mem>>)
    "tpu.region"() ({
      %run_scoped3A = tpu.sem_alloc : memref<!tpu.dma_semaphore, #tpu.memory_space<semaphore_mem>>
      tpu.enqueue_dma source(%arg3 : memref<32xf32, #tpu.memory_space<hbm>>) target(%arg7 : memref<32xf32, #tpu.memory_space<vmem>>) target_semaphore(%run_scoped3A : memref<!tpu.dma_semaphore, #tpu.memory_space<semaphore_mem>>)
      tpu.wait_dma2 semaphore(%run_scoped3A : memref<!tpu.dma_semaphore, #tpu.memory_space<semaphore_mem>>) src(%arg3 : memref<32xf32, #tpu.memory_space<hbm>>) dst(%arg7 : memref<32xf32, #tpu.memory_space<vmem>>)
      tpu.yield
    }) : () -> ()
    %add3A_32 = arith.constant 0 : i32
    %add3A_33 = arith.addi %mul3A_2, %add3A_32 : i32
    %dma_wait3A = arith.constant 0 : i32
    %dma_wait3A_34 = arith.constant 0 : i32
    %dma_wait3A_35 = arith.constant 0 : i32
    %dma_wait3A_36 = tpu.memref_slice %arg5[%dma_wait3A, %dma_wait3A_34, %dma_wait3A_35] : memref<2x16x1024xf32, #tpu.memory_space<vmem>> -> memref<1x16x1024xf32, #tpu.memory_space<vmem>>
    %dma_wait3A_37 = tpu.memref_squeeze %dma_wait3A_36 : memref<1x16x1024xf32, #tpu.memory_space<vmem>> -> memref<16x1024xf32, #tpu.memory_space<vmem>>
    %dma_wait3A_38 = arith.constant 0 : i32
    %dma_wait3A_39 = tpu.memref_slice %arg2[%add3A_33, %dma_wait3A_38] : memref<16384x1024xf32, #tpu.memory_space<hbm>> -> memref<16x1024xf32, #tpu.memory_space<hbm>>
    %dma_wait3A_40 = arith.constant 0 : i32
    %dma_wait3A_41 = arith.constant 0 : i32
    %dma_wait3A_42 = tpu.memref_slice %arg5[%dma_wait3A, %dma_wait3A_40, %dma_wait3A_41] : memref<2x16x1024xf32, #tpu.memory_space<vmem>> -> memref<1x16x1024xf32, #tpu.memory_space<vmem>>
    %dma_wait3A_43 = tpu.memref_squeeze %dma_wait3A_42 : memref<1x16x1024xf32, #tpu.memory_space<vmem>> -> memref<16x1024xf32, #tpu.memory_space<vmem>>
    %dma_wait3A_44 = arith.constant 0 : i32
    %dma_wait3A_45 = tpu.memref_slice %arg2[%add3A_33, %dma_wait3A_44] : memref<16384x1024xf32, #tpu.memory_space<hbm>> -> memref<16x1024xf32, #tpu.memory_space<hbm>>
    tpu.wait_dma2 semaphore(%arg8 : memref<!tpu.dma_semaphore, #tpu.memory_space<semaphore_mem>>) src(%dma_wait3A_45 : memref<16x1024xf32, #tpu.memory_space<hbm>>) dst(%dma_wait3A_43 : memref<16x1024xf32, #tpu.memory_space<vmem>>)
    %parallel_loop3A = arith.constant 0 : i32
    %parallel_loop3A_46 = arith.constant 16384 : i32
    %parallel_loop3A_47 = arith.constant 16 : i32
    scf.for %parallel_loop3A_258 = %parallel_loop3A to %parallel_loop3A_46 step %parallel_loop3A_47  : i32 {
      %parallel_loop3A_259 = arith.constant 10 : i32
      %parallel_loop3A_260 = arith.shrsi %parallel_loop3A_258, %parallel_loop3A_259 : i32
      %parallel_loop3A_261 = arith.constant 1023 : i32
      %parallel_loop3A_262 = arith.andi %parallel_loop3A_258, %parallel_loop3A_261 : i32
      %parallel_loop3A_263 = arith.constant 0 : i32
      %parallel_loop3A_264 = arith.index_cast %parallel_loop3A_263 : i32 to index
      %parallel_loop3A_265 = arith.index_cast %parallel_loop3A_260 : i32 to index
      %parallel_loop3A_266 = arith.index_cast %parallel_loop3A_262 : i32 to index
      %parallel_loop3A_267 = tpu.vector_load %arg5[%parallel_loop3A_264, %parallel_loop3A_265, %parallel_loop3A_266] {strides = array<i32>} : memref<2x16x1024xf32, #tpu.memory_space<vmem>>, vector<16xf32>,
      %parallel_loop3A_268 = arith.constant 5.000000e+00 : f32
      %parallel_loop3A_269 = vector.broadcast %parallel_loop3A_268 : f32 to vector<16xf32>
      %parallel_loop3A_270 = arith.mulf %parallel_loop3A_267, %parallel_loop3A_269 : vector<16xf32>
      %parallel_loop3A_271 = arith.constant 1.599990e+01 : f32
      %parallel_loop3A_272 = vector.broadcast %parallel_loop3A_271 : f32 to vector<16xf32>
      %parallel_loop3A_273 = arith.addf %parallel_loop3A_270, %parallel_loop3A_272 : vector<16xf32>
      %parallel_loop3A_274 = arith.constant 0.000000e+00 : f32
      %parallel_loop3A_275 = vector.broadcast %parallel_loop3A_274 : f32 to vector<16xf32>
      %parallel_loop3A_276 = arith.maximumf %parallel_loop3A_273, %parallel_loop3A_275 : vector<16xf32>
      %parallel_loop3A_277 = arith.constant 3.100000e+01 : f32
      %parallel_loop3A_278 = vector.broadcast %parallel_loop3A_277 : f32 to vector<16xf32>
      %parallel_loop3A_279 = arith.minimumf %parallel_loop3A_276, %parallel_loop3A_278 : vector<16xf32>
      %parallel_loop3A_280 = arith.fptosi %parallel_loop3A_279 : vector<16xf32> to vector<16xi32>
      %parallel_loop3A_281 = tpu.vector_load_idx %arg7[%parallel_loop3A_280] : memref<32xf32, #tpu.memory_space<vmem>>[vector<16xi32>], vector<16xf32>,
      %parallel_loop3A_282 = arith.cmpf oge, %parallel_loop3A_267, %parallel_loop3A_281 : vector<16xf32>
      %parallel_loop3A_283 = arith.extui %parallel_loop3A_282 : vector<16xi1> to vector<16xi32>
      %parallel_loop3A_284 = arith.addi %parallel_loop3A_280, %parallel_loop3A_283 : vector<16xi32>
      %parallel_loop3A_285 = arith.constant 0 : i32
      %parallel_loop3A_286 = arith.index_cast %parallel_loop3A_285 : i32 to index
      %parallel_loop3A_287 = arith.index_cast %parallel_loop3A_260 : i32 to index
      %parallel_loop3A_288 = arith.index_cast %parallel_loop3A_262 : i32 to index
      %parallel_loop3A_289 = tpu.vector_load %arg6[%parallel_loop3A_286, %parallel_loop3A_287, %parallel_loop3A_288] {strides = array<i32>} : memref<2x16x1024xi32, #tpu.memory_space<vmem>>, vector<16xi32>,
      tpu.vector_store %arg6[%parallel_loop3A_286, %parallel_loop3A_287, %parallel_loop3A_288], %parallel_loop3A_284 {strides = array<i32>} : memref<2x16x1024xi32, #tpu.memory_space<vmem>>, vector<16xi32>,
    } {sc.loop_unroll_factor = 8 : i64, sc.parallel_access}
    %add3A_48 = arith.constant 0 : i32
    %add3A_49 = arith.addi %mul3A_2, %add3A_48 : i32
    %dma_start3A_50 = arith.constant 0 : i32
    %dma_start3A_51 = arith.constant 0 : i32
    %dma_start3A_52 = arith.constant 0 : i32
    %dma_start3A_53 = tpu.memref_slice %arg6[%dma_start3A_50, %dma_start3A_51, %dma_start3A_52] : memref<2x16x1024xi32, #tpu.memory_space<vmem>> -> memref<1x16x1024xi32, #tpu.memory_space<vmem>>
    %dma_start3A_54 = tpu.memref_squeeze %dma_start3A_53 : memref<1x16x1024xi32, #tpu.memory_space<vmem>> -> memref<16x1024xi32, #tpu.memory_space<vmem>>
    %dma_start3A_55 = arith.constant 0 : i32
    %dma_start3A_56 = tpu.memref_slice %arg4[%add3A_49, %dma_start3A_55] : memref<16384x1024xi32, #tpu.memory_space<hbm>> -> memref<16x1024xi32, #tpu.memory_space<hbm>>
    %dma_start3A_57 = arith.constant 0 : i32
    %dma_start3A_58 = tpu.memref_slice %arg4[%add3A_49, %dma_start3A_57] : memref<16384x1024xi32, #tpu.memory_space<hbm>> -> memref<16x1024xi32, #tpu.memory_space<hbm>>
    %dma_start3A_59 = arith.constant 0 : i32
    %dma_start3A_60 = arith.constant 0 : i32
    %dma_start3A_61 = tpu.memref_slice %arg6[%dma_start3A_50, %dma_start3A_59, %dma_start3A_60] : memref<2x16x1024xi32, #tpu.memory_space<vmem>> -> memref<1x16x1024xi32, #tpu.memory_space<vmem>>
    %dma_start3A_62 = tpu.memref_squeeze %dma_start3A_61 : memref<1x16x1024xi32, #tpu.memory_space<vmem>> -> memref<16x1024xi32, #tpu.memory_space<vmem>>
    tpu.enqueue_dma source(%dma_start3A_62 : memref<16x1024xi32, #tpu.memory_space<vmem>>) target(%dma_start3A_58 : memref<16x1024xi32, #tpu.memory_space<hbm>>) target_semaphore(%arg10 : memref<!tpu.dma_semaphore, #tpu.memory_space<semaphore_mem>>)
    %add3A_63 = arith.constant 32 : i32
    %add3A_64 = arith.addi %mul3A_2, %add3A_63 : i32
    %dma_start3A_65 = arith.constant 0 : i32
    %dma_start3A_66 = arith.constant 0 : i32
    %dma_start3A_67 = arith.constant 0 : i32
    %dma_start3A_68 = tpu.memref_slice %arg5[%dma_start3A_65, %dma_start3A_66, %dma_start3A_67] : memref<2x16x1024xf32, #tpu.memory_space<vmem>> -> memref<1x16x1024xf32, #tpu.memory_space<vmem>>
    %dma_start3A_69 = tpu.memref_squeeze %dma_start3A_68 : memref<1x16x1024xf32, #tpu.memory_space<vmem>> -> memref<16x1024xf32, #tpu.memory_space<vmem>>
    %dma_start3A_70 = arith.constant 0 : i32
    %dma_start3A_71 = tpu.memref_slice %arg2[%add3A_64, %dma_start3A_70] : memref<16384x1024xf32, #tpu.memory_space<hbm>> -> memref<16x1024xf32, #tpu.memory_space<hbm>>
    %dma_start3A_72 = arith.constant 0 : i32
    %dma_start3A_73 = arith.constant 0 : i32
    %dma_start3A_74 = tpu.memref_slice %arg5[%dma_start3A_65, %dma_start3A_72, %dma_start3A_73] : memref<2x16x1024xf32, #tpu.memory_space<vmem>> -> memref<1x16x1024xf32, #tpu.memory_space<vmem>>
    %dma_start3A_75 = tpu.memref_squeeze %dma_start3A_74 : memref<1x16x1024xf32, #tpu.memory_space<vmem>> -> memref<16x1024xf32, #tpu.memory_space<vmem>>
    %dma_start3A_76 = arith.constant 0 : i32
    %dma_start3A_77 = tpu.memref_slice %arg2[%add3A_64, %dma_start3A_76] : memref<16384x1024xf32, #tpu.memory_space<hbm>> -> memref<16x1024xf32, #tpu.memory_space<hbm>>
    tpu.enqueue_dma source(%dma_start3A_77 : memref<16x1024xf32, #tpu.memory_space<hbm>>) target(%dma_start3A_75 : memref<16x1024xf32, #tpu.memory_space<vmem>>) target_semaphore(%arg8 : memref<!tpu.dma_semaphore, #tpu.memory_space<semaphore_mem>>)
    %add3A_78 = arith.constant 16 : i32
    %add3A_79 = arith.addi %mul3A_2, %add3A_78 : i32
    %dma_wait3A_80 = arith.constant 1 : i32
    %dma_wait3A_81 = arith.constant 0 : i32
    %dma_wait3A_82 = arith.constant 0 : i32
    %dma_wait3A_83 = tpu.memref_slice %arg5[%dma_wait3A_80, %dma_wait3A_81, %dma_wait3A_82] : memref<2x16x1024xf32, #tpu.memory_space<vmem>> -> memref<1x16x1024xf32, #tpu.memory_space<vmem>>
    %dma_wait3A_84 = tpu.memref_squeeze %dma_wait3A_83 : memref<1x16x1024xf32, #tpu.memory_space<vmem>> -> memref<16x1024xf32, #tpu.memory_space<vmem>>
    %dma_wait3A_85 = arith.constant 0 : i32
    %dma_wait3A_86 = tpu.memref_slice %arg2[%add3A_79, %dma_wait3A_85] : memref<16384x1024xf32, #tpu.memory_space<hbm>> -> memref<16x1024xf32, #tpu.memory_space<hbm>>
    %dma_wait3A_87 = arith.constant 0 : i32
    %dma_wait3A_88 = arith.constant 0 : i32
    %dma_wait3A_89 = tpu.memref_slice %arg5[%dma_wait3A_80, %dma_wait3A_87, %dma_wait3A_88] : memref<2x16x1024xf32, #tpu.memory_space<vmem>> -> memref<1x16x1024xf32, #tpu.memory_space<vmem>>
    %dma_wait3A_90 = tpu.memref_squeeze %dma_wait3A_89 : memref<1x16x1024xf32, #tpu.memory_space<vmem>> -> memref<16x1024xf32, #tpu.memory_space<vmem>>
    %dma_wait3A_91 = arith.constant 0 : i32
    %dma_wait3A_92 = tpu.memref_slice %arg2[%add3A_79, %dma_wait3A_91] : memref<16384x1024xf32, #tpu.memory_space<hbm>> -> memref<16x1024xf32, #tpu.memory_space<hbm>>
    tpu.wait_dma2 semaphore(%arg9 : memref<!tpu.dma_semaphore, #tpu.memory_space<semaphore_mem>>) src(%dma_wait3A_92 : memref<16x1024xf32, #tpu.memory_space<hbm>>) dst(%dma_wait3A_90 : memref<16x1024xf32, #tpu.memory_space<vmem>>)
    %parallel_loop3A_93 = arith.constant 0 : i32
    %parallel_loop3A_94 = arith.constant 16384 : i32
    %parallel_loop3A_95 = arith.constant 16 : i32
    scf.for %parallel_loop3A_258 = %parallel_loop3A_93 to %parallel_loop3A_94 step %parallel_loop3A_95  : i32 {
      %parallel_loop3A_259 = arith.constant 10 : i32
      %parallel_loop3A_260 = arith.shrsi %parallel_loop3A_258, %parallel_loop3A_259 : i32
      %parallel_loop3A_261 = arith.constant 1023 : i32
      %parallel_loop3A_262 = arith.andi %parallel_loop3A_258, %parallel_loop3A_261 : i32
      %parallel_loop3A_263 = arith.constant 1 : i32
      %parallel_loop3A_264 = arith.index_cast %parallel_loop3A_263 : i32 to index
      %parallel_loop3A_265 = arith.index_cast %parallel_loop3A_260 : i32 to index
      %parallel_loop3A_266 = arith.index_cast %parallel_loop3A_262 : i32 to index
      %parallel_loop3A_267 = tpu.vector_load %arg5[%parallel_loop3A_264, %parallel_loop3A_265, %parallel_loop3A_266] {strides = array<i32>} : memref<2x16x1024xf32, #tpu.memory_space<vmem>>, vector<16xf32>,
      %parallel_loop3A_268 = arith.constant 5.000000e+00 : f32
      %parallel_loop3A_269 = vector.broadcast %parallel_loop3A_268 : f32 to vector<16xf32>
      %parallel_loop3A_270 = arith.mulf %parallel_loop3A_267, %parallel_loop3A_269 : vector<16xf32>
      %parallel_loop3A_271 = arith.constant 1.599990e+01 : f32
      %parallel_loop3A_272 = vector.broadcast %parallel_loop3A_271 : f32 to vector<16xf32>
      %parallel_loop3A_273 = arith.addf %parallel_loop3A_270, %parallel_loop3A_272 : vector<16xf32>
      %parallel_loop3A_274 = arith.constant 0.000000e+00 : f32
      %parallel_loop3A_275 = vector.broadcast %parallel_loop3A_274 : f32 to vector<16xf32>
      %parallel_loop3A_276 = arith.maximumf %parallel_loop3A_273, %parallel_loop3A_275 : vector<16xf32>
      %parallel_loop3A_277 = arith.constant 3.100000e+01 : f32
      %parallel_loop3A_278 = vector.broadcast %parallel_loop3A_277 : f32 to vector<16xf32>
      %parallel_loop3A_279 = arith.minimumf %parallel_loop3A_276, %parallel_loop3A_278 : vector<16xf32>
      %parallel_loop3A_280 = arith.fptosi %parallel_loop3A_279 : vector<16xf32> to vector<16xi32>
      %parallel_loop3A_281 = tpu.vector_load_idx %arg7[%parallel_loop3A_280] : memref<32xf32, #tpu.memory_space<vmem>>[vector<16xi32>], vector<16xf32>,
      %parallel_loop3A_282 = arith.cmpf oge, %parallel_loop3A_267, %parallel_loop3A_281 : vector<16xf32>
      %parallel_loop3A_283 = arith.extui %parallel_loop3A_282 : vector<16xi1> to vector<16xi32>
      %parallel_loop3A_284 = arith.addi %parallel_loop3A_280, %parallel_loop3A_283 : vector<16xi32>
      %parallel_loop3A_285 = arith.constant 1 : i32
      %parallel_loop3A_286 = arith.index_cast %parallel_loop3A_285 : i32 to index
      %parallel_loop3A_287 = arith.index_cast %parallel_loop3A_260 : i32 to index
      %parallel_loop3A_288 = arith.index_cast %parallel_loop3A_262 : i32 to index
      %parallel_loop3A_289 = tpu.vector_load %arg6[%parallel_loop3A_286, %parallel_loop3A_287, %parallel_loop3A_288] {strides = array<i32>} : memref<2x16x1024xi32, #tpu.memory_space<vmem>>, vector<16xi32>,
      tpu.vector_store %arg6[%parallel_loop3A_286, %parallel_loop3A_287, %parallel_loop3A_288], %parallel_loop3A_284 {strides = array<i32>} : memref<2x16x1024xi32, #tpu.memory_space<vmem>>, vector<16xi32>,
    } {sc.loop_unroll_factor = 8 : i64, sc.parallel_access}
    %add3A_96 = arith.constant 16 : i32
    %add3A_97 = arith.addi %mul3A_2, %add3A_96 : i32
    %dma_start3A_98 = arith.constant 1 : i32
    %dma_start3A_99 = arith.constant 0 : i32
    %dma_start3A_100 = arith.constant 0 : i32
    %dma_start3A_101 = tpu.memref_slice %arg6[%dma_start3A_98, %dma_start3A_99, %dma_start3A_100] : memref<2x16x1024xi32, #tpu.memory_space<vmem>> -> memref<1x16x1024xi32, #tpu.memory_space<vmem>>
    %dma_start3A_102 = tpu.memref_squeeze %dma_start3A_101 : memref<1x16x1024xi32, #tpu.memory_space<vmem>> -> memref<16x1024xi32, #tpu.memory_space<vmem>>
    %dma_start3A_103 = arith.constant 0 : i32
    %dma_start3A_104 = tpu.memref_slice %arg4[%add3A_97, %dma_start3A_103] : memref<16384x1024xi32, #tpu.memory_space<hbm>> -> memref<16x1024xi32, #tpu.memory_space<hbm>>
    %dma_start3A_105 = arith.constant 0 : i32
    %dma_start3A_106 = tpu.memref_slice %arg4[%add3A_97, %dma_start3A_105] : memref<16384x1024xi32, #tpu.memory_space<hbm>> -> memref<16x1024xi32, #tpu.memory_space<hbm>>
    %dma_start3A_107 = arith.constant 0 : i32
    %dma_start3A_108 = arith.constant 0 : i32
    %dma_start3A_109 = tpu.memref_slice %arg6[%dma_start3A_98, %dma_start3A_107, %dma_start3A_108] : memref<2x16x1024xi32, #tpu.memory_space<vmem>> -> memref<1x16x1024xi32, #tpu.memory_space<vmem>>
    %dma_start3A_110 = tpu.memref_squeeze %dma_start3A_109 : memref<1x16x1024xi32, #tpu.memory_space<vmem>> -> memref<16x1024xi32, #tpu.memory_space<vmem>>
    tpu.enqueue_dma source(%dma_start3A_110 : memref<16x1024xi32, #tpu.memory_space<vmem>>) target(%dma_start3A_106 : memref<16x1024xi32, #tpu.memory_space<hbm>>) target_semaphore(%arg11 : memref<!tpu.dma_semaphore, #tpu.memory_space<semaphore_mem>>)
    %add3A_111 = arith.constant 48 : i32
    %add3A_112 = arith.addi %mul3A_2, %add3A_111 : i32
    %dma_start3A_113 = arith.constant 1 : i32
    %dma_start3A_114 = arith.constant 0 : i32
    %dma_start3A_115 = arith.constant 0 : i32
    %dma_start3A_116 = tpu.memref_slice %arg5[%dma_start3A_113, %dma_start3A_114, %dma_start3A_115] : memref<2x16x1024xf32, #tpu.memory_space<vmem>> -> memref<1x16x1024xf32, #tpu.memory_space<vmem>>
    %dma_start3A_117 = tpu.memref_squeeze %dma_start3A_116 : memref<1x16x1024xf32, #tpu.memory_space<vmem>> -> memref<16x1024xf32, #tpu.memory_space<vmem>>
    %dma_start3A_118 = arith.constant 0 : i32
    %dma_start3A_119 = tpu.memref_slice %arg2[%add3A_112, %dma_start3A_118] : memref<16384x1024xf32, #tpu.memory_space<hbm>> -> memref<16x1024xf32, #tpu.memory_space<hbm>>
    %dma_start3A_120 = arith.constant 0 : i32
    %dma_start3A_121 = arith.constant 0 : i32
    %dma_start3A_122 = tpu.memref_slice %arg5[%dma_start3A_113, %dma_start3A_120, %dma_start3A_121] : memref<2x16x1024xf32, #tpu.memory_space<vmem>> -> memref<1x16x1024xf32, #tpu.memory_space<vmem>>
    %dma_start3A_123 = tpu.memref_squeeze %dma_start3A_122 : memref<1x16x1024xf32, #tpu.memory_space<vmem>> -> memref<16x1024xf32, #tpu.memory_space<vmem>>
    %dma_start3A_124 = arith.constant 0 : i32
    %dma_start3A_125 = tpu.memref_slice %arg2[%add3A_112, %dma_start3A_124] : memref<16384x1024xf32, #tpu.memory_space<hbm>> -> memref<16x1024xf32, #tpu.memory_space<hbm>>
    tpu.enqueue_dma source(%dma_start3A_125 : memref<16x1024xf32, #tpu.memory_space<hbm>>) target(%dma_start3A_123 : memref<16x1024xf32, #tpu.memory_space<vmem>>) target_semaphore(%arg9 : memref<!tpu.dma_semaphore, #tpu.memory_space<semaphore_mem>>)
    %scan3A = arith.constant 0 : i32
    %scan3A_126 = arith.constant 1 : i32
    %scan3A_127 = arith.constant 14 : i32
    %scan3A_128 = arith.addi %scan3A_126, %scan3A_127 : i32
    %scan3A_129 = arith.constant 1 : i32
    %scan3A_130 = scf.for %scan3A_258 = %scan3A_126 to %scan3A_128 step %scan3A_129 iter_args(%scan3A_259 = %scan3A) -> (i32)  : i32 {
      %mul3A_260 = arith.constant 2 : i32
      %mul3A_261 = arith.muli %mul3A_260, %scan3A_258 : i32
      %add3A_262 = arith.constant 0 : i32
      %add3A_263 = arith.addi %mul3A_261, %add3A_262 : i32
      %mul3A_264 = arith.constant 16 : i32
      %mul3A_265 = arith.muli %add3A_263, %mul3A_264 : i32
      %add3A_266 = arith.addi %mul3A_2, %mul3A_265 : i32
      %dma_wait3A_267 = arith.constant 0 : i32
      %dma_wait3A_268 = arith.constant 0 : i32
      %dma_wait3A_269 = arith.constant 0 : i32
      %dma_wait3A_270 = tpu.memref_slice %arg5[%dma_wait3A_267, %dma_wait3A_268, %dma_wait3A_269] : memref<2x16x1024xf32, #tpu.memory_space<vmem>> -> memref<1x16x1024xf32, #tpu.memory_space<vmem>>
      %dma_wait3A_271 = tpu.memref_squeeze %dma_wait3A_270 : memref<1x16x1024xf32, #tpu.memory_space<vmem>> -> memref<16x1024xf32, #tpu.memory_space<vmem>>
      %dma_wait3A_272 = arith.constant 0 : i32
      %dma_wait3A_273 = tpu.memref_slice %arg2[%add3A_266, %dma_wait3A_272] : memref<16384x1024xf32, #tpu.memory_space<hbm>> -> memref<16x1024xf32, #tpu.memory_space<hbm>>
      %dma_wait3A_274 = arith.constant 0 : i32
      %dma_wait3A_275 = arith.constant 0 : i32
      %dma_wait3A_276 = tpu.memref_slice %arg5[%dma_wait3A_267, %dma_wait3A_274, %dma_wait3A_275] : memref<2x16x1024xf32, #tpu.memory_space<vmem>> -> memref<1x16x1024xf32, #tpu.memory_space<vmem>>
      %dma_wait3A_277 = tpu.memref_squeeze %dma_wait3A_276 : memref<1x16x1024xf32, #tpu.memory_space<vmem>> -> memref<16x1024xf32, #tpu.memory_space<vmem>>
      %dma_wait3A_278 = arith.constant 0 : i32
      %dma_wait3A_279 = tpu.memref_slice %arg2[%add3A_266, %dma_wait3A_278] : memref<16384x1024xf32, #tpu.memory_space<hbm>> -> memref<16x1024xf32, #tpu.memory_space<hbm>>
      tpu.wait_dma2 semaphore(%arg8 : memref<!tpu.dma_semaphore, #tpu.memory_space<semaphore_mem>>) src(%dma_wait3A_279 : memref<16x1024xf32, #tpu.memory_space<hbm>>) dst(%dma_wait3A_277 : memref<16x1024xf32, #tpu.memory_space<vmem>>)
      %mul3A_280 = arith.constant 16 : i32
      %mul3A_281 = arith.muli %add3A_263, %mul3A_280 : i32
      %add3A_282 = arith.addi %mul3A_2, %mul3A_281 : i32
      %dma_wait3A_283 = arith.constant 0 : i32
      %dma_wait3A_284 = arith.constant 0 : i32
      %dma_wait3A_285 = arith.constant 0 : i32
      %dma_wait3A_286 = tpu.memref_slice %arg6[%dma_wait3A_283, %dma_wait3A_284, %dma_wait3A_285] : memref<2x16x1024xi32, #tpu.memory_space<vmem>> -> memref<1x16x1024xi32, #tpu.memory_space<vmem>>
      %dma_wait3A_287 = tpu.memref_squeeze %dma_wait3A_286 : memref<1x16x1024xi32, #tpu.memory_space<vmem>> -> memref<16x1024xi32, #tpu.memory_space<vmem>>
      %dma_wait3A_288 = arith.constant 0 : i32
      %dma_wait3A_289 = tpu.memref_slice %arg4[%add3A_282, %dma_wait3A_288] : memref<16384x1024xi32, #tpu.memory_space<hbm>> -> memref<16x1024xi32, #tpu.memory_space<hbm>>
      %dma_wait3A_290 = arith.constant 0 : i32
      %dma_wait3A_291 = tpu.memref_slice %arg4[%add3A_282, %dma_wait3A_290] : memref<16384x1024xi32, #tpu.memory_space<hbm>> -> memref<16x1024xi32, #tpu.memory_space<hbm>>
      %dma_wait3A_292 = arith.constant 0 : i32
      %dma_wait3A_293 = arith.constant 0 : i32
      %dma_wait3A_294 = tpu.memref_slice %arg6[%dma_wait3A_283, %dma_wait3A_292, %dma_wait3A_293] : memref<2x16x1024xi32, #tpu.memory_space<vmem>> -> memref<1x16x1024xi32, #tpu.memory_space<vmem>>
      %dma_wait3A_295 = tpu.memref_squeeze %dma_wait3A_294 : memref<1x16x1024xi32, #tpu.memory_space<vmem>> -> memref<16x1024xi32, #tpu.memory_space<vmem>>
      tpu.wait_dma2 semaphore(%arg10 : memref<!tpu.dma_semaphore, #tpu.memory_space<semaphore_mem>>) src(%dma_wait3A_295 : memref<16x1024xi32, #tpu.memory_space<vmem>>) dst(%dma_wait3A_291 : memref<16x1024xi32, #tpu.memory_space<hbm>>)
      %parallel_loop3A_296 = arith.constant 0 : i32
      %parallel_loop3A_297 = arith.constant 16384 : i32
      %parallel_loop3A_298 = arith.constant 16 : i32
      scf.for %parallel_loop3A_407 = %parallel_loop3A_296 to %parallel_loop3A_297 step %parallel_loop3A_298  : i32 {
        %parallel_loop3A_408 = arith.constant 10 : i32
        %parallel_loop3A_409 = arith.shrsi %parallel_loop3A_407, %parallel_loop3A_408 : i32
        %parallel_loop3A_410 = arith.constant 1023 : i32
        %parallel_loop3A_411 = arith.andi %parallel_loop3A_407, %parallel_loop3A_410 : i32
        %parallel_loop3A_412 = arith.constant 0 : i32
        %parallel_loop3A_413 = arith.index_cast %parallel_loop3A_412 : i32 to index
        %parallel_loop3A_414 = arith.index_cast %parallel_loop3A_409 : i32 to index
        %parallel_loop3A_415 = arith.index_cast %parallel_loop3A_411 : i32 to index
        %parallel_loop3A_416 = tpu.vector_load %arg5[%parallel_loop3A_413, %parallel_loop3A_414, %parallel_loop3A_415] {strides = array<i32>} : memref<2x16x1024xf32, #tpu.memory_space<vmem>>, vector<16xf32>,
        %parallel_loop3A_417 = arith.constant 5.000000e+00 : f32
        %parallel_loop3A_418 = vector.broadcast %parallel_loop3A_417 : f32 to vector<16xf32>
        %parallel_loop3A_419 = arith.mulf %parallel_loop3A_416, %parallel_loop3A_418 : vector<16xf32>
        %parallel_loop3A_420 = arith.constant 1.599990e+01 : f32
        %parallel_loop3A_421 = vector.broadcast %parallel_loop3A_420 : f32 to vector<16xf32>
        %parallel_loop3A_422 = arith.addf %parallel_loop3A_419, %parallel_loop3A_421 : vector<16xf32>
        %parallel_loop3A_423 = arith.constant 0.000000e+00 : f32
        %parallel_loop3A_424 = vector.broadcast %parallel_loop3A_423 : f32 to vector<16xf32>
        %parallel_loop3A_425 = arith.maximumf %parallel_loop3A_422, %parallel_loop3A_424 : vector<16xf32>
        %parallel_loop3A_426 = arith.constant 3.100000e+01 : f32
        %parallel_loop3A_427 = vector.broadcast %parallel_loop3A_426 : f32 to vector<16xf32>
        %parallel_loop3A_428 = arith.minimumf %parallel_loop3A_425, %parallel_loop3A_427 : vector<16xf32>
        %parallel_loop3A_429 = arith.fptosi %parallel_loop3A_428 : vector<16xf32> to vector<16xi32>
        %parallel_loop3A_430 = tpu.vector_load_idx %arg7[%parallel_loop3A_429] : memref<32xf32, #tpu.memory_space<vmem>>[vector<16xi32>], vector<16xf32>,
        %parallel_loop3A_431 = arith.cmpf oge, %parallel_loop3A_416, %parallel_loop3A_430 : vector<16xf32>
        %parallel_loop3A_432 = arith.extui %parallel_loop3A_431 : vector<16xi1> to vector<16xi32>
        %parallel_loop3A_433 = arith.addi %parallel_loop3A_429, %parallel_loop3A_432 : vector<16xi32>
        %parallel_loop3A_434 = arith.constant 0 : i32
        %parallel_loop3A_435 = arith.index_cast %parallel_loop3A_434 : i32 to index
        %parallel_loop3A_436 = arith.index_cast %parallel_loop3A_409 : i32 to index
        %parallel_loop3A_437 = arith.index_cast %parallel_loop3A_411 : i32 to index
        %parallel_loop3A_438 = tpu.vector_load %arg6[%parallel_loop3A_435, %parallel_loop3A_436, %parallel_loop3A_437] {strides = array<i32>} : memref<2x16x1024xi32, #tpu.memory_space<vmem>>, vector<16xi32>,
        tpu.vector_store %arg6[%parallel_loop3A_435, %parallel_loop3A_436, %parallel_loop3A_437], %parallel_loop3A_433 {strides = array<i32>} : memref<2x16x1024xi32, #tpu.memory_space<vmem>>, vector<16xi32>,
      } {sc.loop_unroll_factor = 8 : i64, sc.parallel_access}
      %mul3A_299 = arith.constant 16 : i32
      %mul3A_300 = arith.muli %add3A_263, %mul3A_299 : i32
      %add3A_301 = arith.addi %mul3A_2, %mul3A_300 : i32
      %dma_start3A_302 = arith.constant 0 : i32
      %dma_start3A_303 = arith.constant 0 : i32
      %dma_start3A_304 = arith.constant 0 : i32
      %dma_start3A_305 = tpu.memref_slice %arg6[%dma_start3A_302, %dma_start3A_303, %dma_start3A_304] : memref<2x16x1024xi32, #tpu.memory_space<vmem>> -> memref<1x16x1024xi32, #tpu.memory_space<vmem>>
      %dma_start3A_306 = tpu.memref_squeeze %dma_start3A_305 : memref<1x16x1024xi32, #tpu.memory_space<vmem>> -> memref<16x1024xi32, #tpu.memory_space<vmem>>
      %dma_start3A_307 = arith.constant 0 : i32
      %dma_start3A_308 = tpu.memref_slice %arg4[%add3A_301, %dma_start3A_307] : memref<16384x1024xi32, #tpu.memory_space<hbm>> -> memref<16x1024xi32, #tpu.memory_space<hbm>>
      %dma_start3A_309 = arith.constant 0 : i32
      %dma_start3A_310 = tpu.memref_slice %arg4[%add3A_301, %dma_start3A_309] : memref<16384x1024xi32, #tpu.memory_space<hbm>> -> memref<16x1024xi32, #tpu.memory_space<hbm>>
      %dma_start3A_311 = arith.constant 0 : i32
      %dma_start3A_312 = arith.constant 0 : i32
      %dma_start3A_313 = tpu.memref_slice %arg6[%dma_start3A_302, %dma_start3A_311, %dma_start3A_312] : memref<2x16x1024xi32, #tpu.memory_space<vmem>> -> memref<1x16x1024xi32, #tpu.memory_space<vmem>>
      %dma_start3A_314 = tpu.memref_squeeze %dma_start3A_313 : memref<1x16x1024xi32, #tpu.memory_space<vmem>> -> memref<16x1024xi32, #tpu.memory_space<vmem>>
      tpu.enqueue_dma source(%dma_start3A_314 : memref<16x1024xi32, #tpu.memory_space<vmem>>) target(%dma_start3A_310 : memref<16x1024xi32, #tpu.memory_space<hbm>>) target_semaphore(%arg10 : memref<!tpu.dma_semaphore, #tpu.memory_space<semaphore_mem>>)
      %add3A_315 = arith.constant 2 : i32
      %add3A_316 = arith.addi %add3A_263, %add3A_315 : i32
      %mul3A_317 = arith.constant 16 : i32
      %mul3A_318 = arith.muli %add3A_316, %mul3A_317 : i32
      %add3A_319 = arith.addi %mul3A_2, %mul3A_318 : i32
      %dma_start3A_320 = arith.constant 0 : i32
      %dma_start3A_321 = arith.constant 0 : i32
      %dma_start3A_322 = arith.constant 0 : i32
      %dma_start3A_323 = tpu.memref_slice %arg5[%dma_start3A_320, %dma_start3A_321, %dma_start3A_322] : memref<2x16x1024xf32, #tpu.memory_space<vmem>> -> memref<1x16x1024xf32, #tpu.memory_space<vmem>>
      %dma_start3A_324 = tpu.memref_squeeze %dma_start3A_323 : memref<1x16x1024xf32, #tpu.memory_space<vmem>> -> memref<16x1024xf32, #tpu.memory_space<vmem>>
      %dma_start3A_325 = arith.constant 0 : i32
      %dma_start3A_326 = tpu.memref_slice %arg2[%add3A_319, %dma_start3A_325] : memref<16384x1024xf32, #tpu.memory_space<hbm>> -> memref<16x1024xf32, #tpu.memory_space<hbm>>
      %dma_start3A_327 = arith.constant 0 : i32
      %dma_start3A_328 = arith.constant 0 : i32
      %dma_start3A_329 = tpu.memref_slice %arg5[%dma_start3A_320, %dma_start3A_327, %dma_start3A_328] : memref<2x16x1024xf32, #tpu.memory_space<vmem>> -> memref<1x16x1024xf32, #tpu.memory_space<vmem>>
      %dma_start3A_330 = tpu.memref_squeeze %dma_start3A_329 : memref<1x16x1024xf32, #tpu.memory_space<vmem>> -> memref<16x1024xf32, #tpu.memory_space<vmem>>
      %dma_start3A_331 = arith.constant 0 : i32
      %dma_start3A_332 = tpu.memref_slice %arg2[%add3A_319, %dma_start3A_331] : memref<16384x1024xf32, #tpu.memory_space<hbm>> -> memref<16x1024xf32, #tpu.memory_space<hbm>>
      tpu.enqueue_dma source(%dma_start3A_332 : memref<16x1024xf32, #tpu.memory_space<hbm>>) target(%dma_start3A_330 : memref<16x1024xf32, #tpu.memory_space<vmem>>) target_semaphore(%arg8 : memref<!tpu.dma_semaphore, #tpu.memory_space<semaphore_mem>>)
      %mul3A_333 = arith.constant 2 : i32
      %mul3A_334 = arith.muli %mul3A_333, %scan3A_258 : i32
      %add3A_335 = arith.constant 1 : i32
      %add3A_336 = arith.addi %mul3A_334, %add3A_335 : i32
      %mul3A_337 = arith.constant 16 : i32
      %mul3A_338 = arith.muli %add3A_336, %mul3A_337 : i32
      %add3A_339 = arith.addi %mul3A_2, %mul3A_338 : i32
      %dma_wait3A_340 = arith.constant 1 : i32
      %dma_wait3A_341 = arith.constant 0 : i32
      %dma_wait3A_342 = arith.constant 0 : i32
      %dma_wait3A_343 = tpu.memref_slice %arg5[%dma_wait3A_340, %dma_wait3A_341, %dma_wait3A_342] : memref<2x16x1024xf32, #tpu.memory_space<vmem>> -> memref<1x16x1024xf32, #tpu.memory_space<vmem>>
      %dma_wait3A_344 = tpu.memref_squeeze %dma_wait3A_343 : memref<1x16x1024xf32, #tpu.memory_space<vmem>> -> memref<16x1024xf32, #tpu.memory_space<vmem>>
      %dma_wait3A_345 = arith.constant 0 : i32
      %dma_wait3A_346 = tpu.memref_slice %arg2[%add3A_339, %dma_wait3A_345] : memref<16384x1024xf32, #tpu.memory_space<hbm>> -> memref<16x1024xf32, #tpu.memory_space<hbm>>
      %dma_wait3A_347 = arith.constant 0 : i32
      %dma_wait3A_348 = arith.constant 0 : i32
      %dma_wait3A_349 = tpu.memref_slice %arg5[%dma_wait3A_340, %dma_wait3A_347, %dma_wait3A_348] : memref<2x16x1024xf32, #tpu.memory_space<vmem>> -> memref<1x16x1024xf32, #tpu.memory_space<vmem>>
      %dma_wait3A_350 = tpu.memref_squeeze %dma_wait3A_349 : memref<1x16x1024xf32, #tpu.memory_space<vmem>> -> memref<16x1024xf32, #tpu.memory_space<vmem>>
      %dma_wait3A_351 = arith.constant 0 : i32
      %dma_wait3A_352 = tpu.memref_slice %arg2[%add3A_339, %dma_wait3A_351] : memref<16384x1024xf32, #tpu.memory_space<hbm>> -> memref<16x1024xf32, #tpu.memory_space<hbm>>
      tpu.wait_dma2 semaphore(%arg9 : memref<!tpu.dma_semaphore, #tpu.memory_space<semaphore_mem>>) src(%dma_wait3A_352 : memref<16x1024xf32, #tpu.memory_space<hbm>>) dst(%dma_wait3A_350 : memref<16x1024xf32, #tpu.memory_space<vmem>>)
      %mul3A_353 = arith.constant 16 : i32
      %mul3A_354 = arith.muli %add3A_336, %mul3A_353 : i32
      %add3A_355 = arith.addi %mul3A_2, %mul3A_354 : i32
      %dma_wait3A_356 = arith.constant 1 : i32
      %dma_wait3A_357 = arith.constant 0 : i32
      %dma_wait3A_358 = arith.constant 0 : i32
      %dma_wait3A_359 = tpu.memref_slice %arg6[%dma_wait3A_356, %dma_wait3A_357, %dma_wait3A_358] : memref<2x16x1024xi32, #tpu.memory_space<vmem>> -> memref<1x16x1024xi32, #tpu.memory_space<vmem>>
      %dma_wait3A_360 = tpu.memref_squeeze %dma_wait3A_359 : memref<1x16x1024xi32, #tpu.memory_space<vmem>> -> memref<16x1024xi32, #tpu.memory_space<vmem>>
      %dma_wait3A_361 = arith.constant 0 : i32
      %dma_wait3A_362 = tpu.memref_slice %arg4[%add3A_355, %dma_wait3A_361] : memref<16384x1024xi32, #tpu.memory_space<hbm>> -> memref<16x1024xi32, #tpu.memory_space<hbm>>
      %dma_wait3A_363 = arith.constant 0 : i32
      %dma_wait3A_364 = tpu.memref_slice %arg4[%add3A_355, %dma_wait3A_363] : memref<16384x1024xi32, #tpu.memory_space<hbm>> -> memref<16x1024xi32, #tpu.memory_space<hbm>>
      %dma_wait3A_365 = arith.constant 0 : i32
      %dma_wait3A_366 = arith.constant 0 : i32
      %dma_wait3A_367 = tpu.memref_slice %arg6[%dma_wait3A_356, %dma_wait3A_365, %dma_wait3A_366] : memref<2x16x1024xi32, #tpu.memory_space<vmem>> -> memref<1x16x1024xi32, #tpu.memory_space<vmem>>
      %dma_wait3A_368 = tpu.memref_squeeze %dma_wait3A_367 : memref<1x16x1024xi32, #tpu.memory_space<vmem>> -> memref<16x1024xi32, #tpu.memory_space<vmem>>
      tpu.wait_dma2 semaphore(%arg11 : memref<!tpu.dma_semaphore, #tpu.memory_space<semaphore_mem>>) src(%dma_wait3A_368 : memref<16x1024xi32, #tpu.memory_space<vmem>>) dst(%dma_wait3A_364 : memref<16x1024xi32, #tpu.memory_space<hbm>>)
      %parallel_loop3A_369 = arith.constant 0 : i32
      %parallel_loop3A_370 = arith.constant 16384 : i32
      %parallel_loop3A_371 = arith.constant 16 : i32
      scf.for %parallel_loop3A_407 = %parallel_loop3A_369 to %parallel_loop3A_370 step %parallel_loop3A_371  : i32 {
        %parallel_loop3A_408 = arith.constant 10 : i32
        %parallel_loop3A_409 = arith.shrsi %parallel_loop3A_407, %parallel_loop3A_408 : i32
        %parallel_loop3A_410 = arith.constant 1023 : i32
        %parallel_loop3A_411 = arith.andi %parallel_loop3A_407, %parallel_loop3A_410 : i32
        %parallel_loop3A_412 = arith.constant 1 : i32
        %parallel_loop3A_413 = arith.index_cast %parallel_loop3A_412 : i32 to index
        %parallel_loop3A_414 = arith.index_cast %parallel_loop3A_409 : i32 to index
        %parallel_loop3A_415 = arith.index_cast %parallel_loop3A_411 : i32 to index
        %parallel_loop3A_416 = tpu.vector_load %arg5[%parallel_loop3A_413, %parallel_loop3A_414, %parallel_loop3A_415] {strides = array<i32>} : memref<2x16x1024xf32, #tpu.memory_space<vmem>>, vector<16xf32>,
        %parallel_loop3A_417 = arith.constant 5.000000e+00 : f32
        %parallel_loop3A_418 = vector.broadcast %parallel_loop3A_417 : f32 to vector<16xf32>
        %parallel_loop3A_419 = arith.mulf %parallel_loop3A_416, %parallel_loop3A_418 : vector<16xf32>
        %parallel_loop3A_420 = arith.constant 1.599990e+01 : f32
        %parallel_loop3A_421 = vector.broadcast %parallel_loop3A_420 : f32 to vector<16xf32>
        %parallel_loop3A_422 = arith.addf %parallel_loop3A_419, %parallel_loop3A_421 : vector<16xf32>
        %parallel_loop3A_423 = arith.constant 0.000000e+00 : f32
        %parallel_loop3A_424 = vector.broadcast %parallel_loop3A_423 : f32 to vector<16xf32>
        %parallel_loop3A_425 = arith.maximumf %parallel_loop3A_422, %parallel_loop3A_424 : vector<16xf32>
        %parallel_loop3A_426 = arith.constant 3.100000e+01 : f32
        %parallel_loop3A_427 = vector.broadcast %parallel_loop3A_426 : f32 to vector<16xf32>
        %parallel_loop3A_428 = arith.minimumf %parallel_loop3A_425, %parallel_loop3A_427 : vector<16xf32>
        %parallel_loop3A_429 = arith.fptosi %parallel_loop3A_428 : vector<16xf32> to vector<16xi32>
        %parallel_loop3A_430 = tpu.vector_load_idx %arg7[%parallel_loop3A_429] : memref<32xf32, #tpu.memory_space<vmem>>[vector<16xi32>], vector<16xf32>,
        %parallel_loop3A_431 = arith.cmpf oge, %parallel_loop3A_416, %parallel_loop3A_430 : vector<16xf32>
        %parallel_loop3A_432 = arith.extui %parallel_loop3A_431 : vector<16xi1> to vector<16xi32>
        %parallel_loop3A_433 = arith.addi %parallel_loop3A_429, %parallel_loop3A_432 : vector<16xi32>
        %parallel_loop3A_434 = arith.constant 1 : i32
        %parallel_loop3A_435 = arith.index_cast %parallel_loop3A_434 : i32 to index
        %parallel_loop3A_436 = arith.index_cast %parallel_loop3A_409 : i32 to index
        %parallel_loop3A_437 = arith.index_cast %parallel_loop3A_411 : i32 to index
        %parallel_loop3A_438 = tpu.vector_load %arg6[%parallel_loop3A_435, %parallel_loop3A_436, %parallel_loop3A_437] {strides = array<i32>} : memref<2x16x1024xi32, #tpu.memory_space<vmem>>, vector<16xi32>,
        tpu.vector_store %arg6[%parallel_loop3A_435, %parallel_loop3A_436, %parallel_loop3A_437], %parallel_loop3A_433 {strides = array<i32>} : memref<2x16x1024xi32, #tpu.memory_space<vmem>>, vector<16xi32>,
      } {sc.loop_unroll_factor = 8 : i64, sc.parallel_access}
      %mul3A_372 = arith.constant 16 : i32
      %mul3A_373 = arith.muli %add3A_336, %mul3A_372 : i32
      %add3A_374 = arith.addi %mul3A_2, %mul3A_373 : i32
      %dma_start3A_375 = arith.constant 1 : i32
      %dma_start3A_376 = arith.constant 0 : i32
      %dma_start3A_377 = arith.constant 0 : i32
      %dma_start3A_378 = tpu.memref_slice %arg6[%dma_start3A_375, %dma_start3A_376, %dma_start3A_377] : memref<2x16x1024xi32, #tpu.memory_space<vmem>> -> memref<1x16x1024xi32, #tpu.memory_space<vmem>>
      %dma_start3A_379 = tpu.memref_squeeze %dma_start3A_378 : memref<1x16x1024xi32, #tpu.memory_space<vmem>> -> memref<16x1024xi32, #tpu.memory_space<vmem>>
      %dma_start3A_380 = arith.constant 0 : i32
      %dma_start3A_381 = tpu.memref_slice %arg4[%add3A_374, %dma_start3A_380] : memref<16384x1024xi32, #tpu.memory_space<hbm>> -> memref<16x1024xi32, #tpu.memory_space<hbm>>
      %dma_start3A_382 = arith.constant 0 : i32
      %dma_start3A_383 = tpu.memref_slice %arg4[%add3A_374, %dma_start3A_382] : memref<16384x1024xi32, #tpu.memory_space<hbm>> -> memref<16x1024xi32, #tpu.memory_space<hbm>>
      %dma_start3A_384 = arith.constant 0 : i32
      %dma_start3A_385 = arith.constant 0 : i32
      %dma_start3A_386 = tpu.memref_slice %arg6[%dma_start3A_375, %dma_start3A_384, %dma_start3A_385] : memref<2x16x1024xi32, #tpu.memory_space<vmem>> -> memref<1x16x1024xi32, #tpu.memory_space<vmem>>
      %dma_start3A_387 = tpu.memref_squeeze %dma_start3A_386 : memref<1x16x1024xi32, #tpu.memory_space<vmem>> -> memref<16x1024xi32, #tpu.memory_space<vmem>>
      tpu.enqueue_dma source(%dma_start3A_387 : memref<16x1024xi32, #tpu.memory_space<vmem>>) target(%dma_start3A_383 : memref<16x1024xi32, #tpu.memory_space<hbm>>) target_semaphore(%arg11 : memref<!tpu.dma_semaphore, #tpu.memory_space<semaphore_mem>>)
      %add3A_388 = arith.constant 2 : i32
      %add3A_389 = arith.addi %add3A_336, %add3A_388 : i32
      %mul3A_390 = arith.constant 16 : i32
      %mul3A_391 = arith.muli %add3A_389, %mul3A_390 : i32
      %add3A_392 = arith.addi %mul3A_2, %mul3A_391 : i32
      %dma_start3A_393 = arith.constant 1 : i32
      %dma_start3A_394 = arith.constant 0 : i32
      %dma_start3A_395 = arith.constant 0 : i32
      %dma_start3A_396 = tpu.memref_slice %arg5[%dma_start3A_393, %dma_start3A_394, %dma_start3A_395] : memref<2x16x1024xf32, #tpu.memory_space<vmem>> -> memref<1x16x1024xf32, #tpu.memory_space<vmem>>
      %dma_start3A_397 = tpu.memref_squeeze %dma_start3A_396 : memref<1x16x1024xf32, #tpu.memory_space<vmem>> -> memref<16x1024xf32, #tpu.memory_space<vmem>>
      %dma_start3A_398 = arith.constant 0 : i32
      %dma_start3A_399 = tpu.memref_slice %arg2[%add3A_392, %dma_start3A_398] : memref<16384x1024xf32, #tpu.memory_space<hbm>> -> memref<16x1024xf32, #tpu.memory_space<hbm>>
      %dma_start3A_400 = arith.constant 0 : i32
      %dma_start3A_401 = arith.constant 0 : i32
      %dma_start3A_402 = tpu.memref_slice %arg5[%dma_start3A_393, %dma_start3A_400, %dma_start3A_401] : memref<2x16x1024xf32, #tpu.memory_space<vmem>> -> memref<1x16x1024xf32, #tpu.memory_space<vmem>>
      %dma_start3A_403 = tpu.memref_squeeze %dma_start3A_402 : memref<1x16x1024xf32, #tpu.memory_space<vmem>> -> memref<16x1024xf32, #tpu.memory_space<vmem>>
      %dma_start3A_404 = arith.constant 0 : i32
      %dma_start3A_405 = tpu.memref_slice %arg2[%add3A_392, %dma_start3A_404] : memref<16384x1024xf32, #tpu.memory_space<hbm>> -> memref<16x1024xf32, #tpu.memory_space<hbm>>
      tpu.enqueue_dma source(%dma_start3A_405 : memref<16x1024xf32, #tpu.memory_space<hbm>>) target(%dma_start3A_403 : memref<16x1024xf32, #tpu.memory_space<vmem>>) target_semaphore(%arg9 : memref<!tpu.dma_semaphore, #tpu.memory_space<semaphore_mem>>)
      %scan3A_406 = arith.constant 0 : i32
      scf.yield %scan3A_406 : i32
    }
    %scan3A_131 = arith.constant 14 : i32
    %add3A_132 = arith.constant 480 : i32
    %add3A_133 = arith.addi %mul3A_2, %add3A_132 : i32
    %dma_wait3A_134 = arith.constant 0 : i32
    %dma_wait3A_135 = arith.constant 0 : i32
    %dma_wait3A_136 = arith.constant 0 : i32
    %dma_wait3A_137 = tpu.memref_slice %arg5[%dma_wait3A_134, %dma_wait3A_135, %dma_wait3A_136] : memref<2x16x1024xf32, #tpu.memory_space<vmem>> -> memref<1x16x1024xf32, #tpu.memory_space<vmem>>
    %dma_wait3A_138 = tpu.memref_squeeze %dma_wait3A_137 : memref<1x16x1024xf32, #tpu.memory_space<vmem>> -> memref<16x1024xf32, #tpu.memory_space<vmem>>
    %dma_wait3A_139 = arith.constant 0 : i32
    %dma_wait3A_140 = tpu.memref_slice %arg2[%add3A_133, %dma_wait3A_139] : memref<16384x1024xf32, #tpu.memory_space<hbm>> -> memref<16x1024xf32, #tpu.memory_space<hbm>>
    %dma_wait3A_141 = arith.constant 0 : i32
    %dma_wait3A_142 = arith.constant 0 : i32
    %dma_wait3A_143 = tpu.memref_slice %arg5[%dma_wait3A_134, %dma_wait3A_141, %dma_wait3A_142] : memref<2x16x1024xf32, #tpu.memory_space<vmem>> -> memref<1x16x1024xf32, #tpu.memory_space<vmem>>
    %dma_wait3A_144 = tpu.memref_squeeze %dma_wait3A_143 : memref<1x16x1024xf32, #tpu.memory_space<vmem>> -> memref<16x1024xf32, #tpu.memory_space<vmem>>
    %dma_wait3A_145 = arith.constant 0 : i32
    %dma_wait3A_146 = tpu.memref_slice %arg2[%add3A_133, %dma_wait3A_145] : memref<16384x1024xf32, #tpu.memory_space<hbm>> -> memref<16x1024xf32, #tpu.memory_space<hbm>>
    tpu.wait_dma2 semaphore(%arg8 : memref<!tpu.dma_semaphore, #tpu.memory_space<semaphore_mem>>) src(%dma_wait3A_146 : memref<16x1024xf32, #tpu.memory_space<hbm>>) dst(%dma_wait3A_144 : memref<16x1024xf32, #tpu.memory_space<vmem>>)
    %add3A_147 = arith.constant 480 : i32
    %add3A_148 = arith.addi %mul3A_2, %add3A_147 : i32
    %dma_wait3A_149 = arith.constant 0 : i32
    %dma_wait3A_150 = arith.constant 0 : i32
    %dma_wait3A_151 = arith.constant 0 : i32
    %dma_wait3A_152 = tpu.memref_slice %arg6[%dma_wait3A_149, %dma_wait3A_150, %dma_wait3A_151] : memref<2x16x1024xi32, #tpu.memory_space<vmem>> -> memref<1x16x1024xi32, #tpu.memory_space<vmem>>
    %dma_wait3A_153 = tpu.memref_squeeze %dma_wait3A_152 : memref<1x16x1024xi32, #tpu.memory_space<vmem>> -> memref<16x1024xi32, #tpu.memory_space<vmem>>
    %dma_wait3A_154 = arith.constant 0 : i32
    %dma_wait3A_155 = tpu.memref_slice %arg4[%add3A_148, %dma_wait3A_154] : memref<16384x1024xi32, #tpu.memory_space<hbm>> -> memref<16x1024xi32, #tpu.memory_space<hbm>>
    %dma_wait3A_156 = arith.constant 0 : i32
    %dma_wait3A_157 = tpu.memref_slice %arg4[%add3A_148, %dma_wait3A_156] : memref<16384x1024xi32, #tpu.memory_space<hbm>> -> memref<16x1024xi32, #tpu.memory_space<hbm>>
    %dma_wait3A_158 = arith.constant 0 : i32
    %dma_wait3A_159 = arith.constant 0 : i32
    %dma_wait3A_160 = tpu.memref_slice %arg6[%dma_wait3A_149, %dma_wait3A_158, %dma_wait3A_159] : memref<2x16x1024xi32, #tpu.memory_space<vmem>> -> memref<1x16x1024xi32, #tpu.memory_space<vmem>>
    %dma_wait3A_161 = tpu.memref_squeeze %dma_wait3A_160 : memref<1x16x1024xi32, #tpu.memory_space<vmem>> -> memref<16x1024xi32, #tpu.memory_space<vmem>>
    tpu.wait_dma2 semaphore(%arg10 : memref<!tpu.dma_semaphore, #tpu.memory_space<semaphore_mem>>) src(%dma_wait3A_161 : memref<16x1024xi32, #tpu.memory_space<vmem>>) dst(%dma_wait3A_157 : memref<16x1024xi32, #tpu.memory_space<hbm>>)
    %parallel_loop3A_162 = arith.constant 0 : i32
    %parallel_loop3A_163 = arith.constant 16384 : i32
    %parallel_loop3A_164 = arith.constant 16 : i32
    scf.for %parallel_loop3A_258 = %parallel_loop3A_162 to %parallel_loop3A_163 step %parallel_loop3A_164  : i32 {
      %parallel_loop3A_259 = arith.constant 10 : i32
      %parallel_loop3A_260 = arith.shrsi %parallel_loop3A_258, %parallel_loop3A_259 : i32
      %parallel_loop3A_261 = arith.constant 1023 : i32
      %parallel_loop3A_262 = arith.andi %parallel_loop3A_258, %parallel_loop3A_261 : i32
      %parallel_loop3A_263 = arith.constant 0 : i32
      %parallel_loop3A_264 = arith.index_cast %parallel_loop3A_263 : i32 to index
      %parallel_loop3A_265 = arith.index_cast %parallel_loop3A_260 : i32 to index
      %parallel_loop3A_266 = arith.index_cast %parallel_loop3A_262 : i32 to index
      %parallel_loop3A_267 = tpu.vector_load %arg5[%parallel_loop3A_264, %parallel_loop3A_265, %parallel_loop3A_266] {strides = array<i32>} : memref<2x16x1024xf32, #tpu.memory_space<vmem>>, vector<16xf32>,
      %parallel_loop3A_268 = arith.constant 5.000000e+00 : f32
      %parallel_loop3A_269 = vector.broadcast %parallel_loop3A_268 : f32 to vector<16xf32>
      %parallel_loop3A_270 = arith.mulf %parallel_loop3A_267, %parallel_loop3A_269 : vector<16xf32>
      %parallel_loop3A_271 = arith.constant 1.599990e+01 : f32
      %parallel_loop3A_272 = vector.broadcast %parallel_loop3A_271 : f32 to vector<16xf32>
      %parallel_loop3A_273 = arith.addf %parallel_loop3A_270, %parallel_loop3A_272 : vector<16xf32>
      %parallel_loop3A_274 = arith.constant 0.000000e+00 : f32
      %parallel_loop3A_275 = vector.broadcast %parallel_loop3A_274 : f32 to vector<16xf32>
      %parallel_loop3A_276 = arith.maximumf %parallel_loop3A_273, %parallel_loop3A_275 : vector<16xf32>
      %parallel_loop3A_277 = arith.constant 3.100000e+01 : f32
      %parallel_loop3A_278 = vector.broadcast %parallel_loop3A_277 : f32 to vector<16xf32>
      %parallel_loop3A_279 = arith.minimumf %parallel_loop3A_276, %parallel_loop3A_278 : vector<16xf32>
      %parallel_loop3A_280 = arith.fptosi %parallel_loop3A_279 : vector<16xf32> to vector<16xi32>
      %parallel_loop3A_281 = tpu.vector_load_idx %arg7[%parallel_loop3A_280] : memref<32xf32, #tpu.memory_space<vmem>>[vector<16xi32>], vector<16xf32>,
      %parallel_loop3A_282 = arith.cmpf oge, %parallel_loop3A_267, %parallel_loop3A_281 : vector<16xf32>
      %parallel_loop3A_283 = arith.extui %parallel_loop3A_282 : vector<16xi1> to vector<16xi32>
      %parallel_loop3A_284 = arith.addi %parallel_loop3A_280, %parallel_loop3A_283 : vector<16xi32>
      %parallel_loop3A_285 = arith.constant 0 : i32
      %parallel_loop3A_286 = arith.index_cast %parallel_loop3A_285 : i32 to index
      %parallel_loop3A_287 = arith.index_cast %parallel_loop3A_260 : i32 to index
      %parallel_loop3A_288 = arith.index_cast %parallel_loop3A_262 : i32 to index
      %parallel_loop3A_289 = tpu.vector_load %arg6[%parallel_loop3A_286, %parallel_loop3A_287, %parallel_loop3A_288] {strides = array<i32>} : memref<2x16x1024xi32, #tpu.memory_space<vmem>>, vector<16xi32>,
      tpu.vector_store %arg6[%parallel_loop3A_286, %parallel_loop3A_287, %parallel_loop3A_288], %parallel_loop3A_284 {strides = array<i32>} : memref<2x16x1024xi32, #tpu.memory_space<vmem>>, vector<16xi32>,
    } {sc.loop_unroll_factor = 8 : i64, sc.parallel_access}
    %add3A_165 = arith.constant 480 : i32
    %add3A_166 = arith.addi %mul3A_2, %add3A_165 : i32
    %dma_start3A_167 = arith.constant 0 : i32
    %dma_start3A_168 = arith.constant 0 : i32
    %dma_start3A_169 = arith.constant 0 : i32
    %dma_start3A_170 = tpu.memref_slice %arg6[%dma_start3A_167, %dma_start3A_168, %dma_start3A_169] : memref<2x16x1024xi32, #tpu.memory_space<vmem>> -> memref<1x16x1024xi32, #tpu.memory_space<vmem>>
    %dma_start3A_171 = tpu.memref_squeeze %dma_start3A_170 : memref<1x16x1024xi32, #tpu.memory_space<vmem>> -> memref<16x1024xi32, #tpu.memory_space<vmem>>
    %dma_start3A_172 = arith.constant 0 : i32
    %dma_start3A_173 = tpu.memref_slice %arg4[%add3A_166, %dma_start3A_172] : memref<16384x1024xi32, #tpu.memory_space<hbm>> -> memref<16x1024xi32, #tpu.memory_space<hbm>>
    %dma_start3A_174 = arith.constant 0 : i32
    %dma_start3A_175 = tpu.memref_slice %arg4[%add3A_166, %dma_start3A_174] : memref<16384x1024xi32, #tpu.memory_space<hbm>> -> memref<16x1024xi32, #tpu.memory_space<hbm>>
    %dma_start3A_176 = arith.constant 0 : i32
    %dma_start3A_177 = arith.constant 0 : i32
    %dma_start3A_178 = tpu.memref_slice %arg6[%dma_start3A_167, %dma_start3A_176, %dma_start3A_177] : memref<2x16x1024xi32, #tpu.memory_space<vmem>> -> memref<1x16x1024xi32, #tpu.memory_space<vmem>>
    %dma_start3A_179 = tpu.memref_squeeze %dma_start3A_178 : memref<1x16x1024xi32, #tpu.memory_space<vmem>> -> memref<16x1024xi32, #tpu.memory_space<vmem>>
    tpu.enqueue_dma source(%dma_start3A_179 : memref<16x1024xi32, #tpu.memory_space<vmem>>) target(%dma_start3A_175 : memref<16x1024xi32, #tpu.memory_space<hbm>>) target_semaphore(%arg10 : memref<!tpu.dma_semaphore, #tpu.memory_space<semaphore_mem>>)
    %add3A_180 = arith.constant 496 : i32
    %add3A_181 = arith.addi %mul3A_2, %add3A_180 : i32
    %dma_wait3A_182 = arith.constant 1 : i32
    %dma_wait3A_183 = arith.constant 0 : i32
    %dma_wait3A_184 = arith.constant 0 : i32
    %dma_wait3A_185 = tpu.memref_slice %arg5[%dma_wait3A_182, %dma_wait3A_183, %dma_wait3A_184] : memref<2x16x1024xf32, #tpu.memory_space<vmem>> -> memref<1x16x1024xf32, #tpu.memory_space<vmem>>
    %dma_wait3A_186 = tpu.memref_squeeze %dma_wait3A_185 : memref<1x16x1024xf32, #tpu.memory_space<vmem>> -> memref<16x1024xf32, #tpu.memory_space<vmem>>
    %dma_wait3A_187 = arith.constant 0 : i32
    %dma_wait3A_188 = tpu.memref_slice %arg2[%add3A_181, %dma_wait3A_187] : memref<16384x1024xf32, #tpu.memory_space<hbm>> -> memref<16x1024xf32, #tpu.memory_space<hbm>>
    %dma_wait3A_189 = arith.constant 0 : i32
    %dma_wait3A_190 = arith.constant 0 : i32
    %dma_wait3A_191 = tpu.memref_slice %arg5[%dma_wait3A_182, %dma_wait3A_189, %dma_wait3A_190] : memref<2x16x1024xf32, #tpu.memory_space<vmem>> -> memref<1x16x1024xf32, #tpu.memory_space<vmem>>
    %dma_wait3A_192 = tpu.memref_squeeze %dma_wait3A_191 : memref<1x16x1024xf32, #tpu.memory_space<vmem>> -> memref<16x1024xf32, #tpu.memory_space<vmem>>
    %dma_wait3A_193 = arith.constant 0 : i32
    %dma_wait3A_194 = tpu.memref_slice %arg2[%add3A_181, %dma_wait3A_193] : memref<16384x1024xf32, #tpu.memory_space<hbm>> -> memref<16x1024xf32, #tpu.memory_space<hbm>>
    tpu.wait_dma2 semaphore(%arg9 : memref<!tpu.dma_semaphore, #tpu.memory_space<semaphore_mem>>) src(%dma_wait3A_194 : memref<16x1024xf32, #tpu.memory_space<hbm>>) dst(%dma_wait3A_192 : memref<16x1024xf32, #tpu.memory_space<vmem>>)
    %add3A_195 = arith.constant 496 : i32
    %add3A_196 = arith.addi %mul3A_2, %add3A_195 : i32
    %dma_wait3A_197 = arith.constant 1 : i32
    %dma_wait3A_198 = arith.constant 0 : i32
    %dma_wait3A_199 = arith.constant 0 : i32
    %dma_wait3A_200 = tpu.memref_slice %arg6[%dma_wait3A_197, %dma_wait3A_198, %dma_wait3A_199] : memref<2x16x1024xi32, #tpu.memory_space<vmem>> -> memref<1x16x1024xi32, #tpu.memory_space<vmem>>
    %dma_wait3A_201 = tpu.memref_squeeze %dma_wait3A_200 : memref<1x16x1024xi32, #tpu.memory_space<vmem>> -> memref<16x1024xi32, #tpu.memory_space<vmem>>
    %dma_wait3A_202 = arith.constant 0 : i32
    %dma_wait3A_203 = tpu.memref_slice %arg4[%add3A_196, %dma_wait3A_202] : memref<16384x1024xi32, #tpu.memory_space<hbm>> -> memref<16x1024xi32, #tpu.memory_space<hbm>>
    %dma_wait3A_204 = arith.constant 0 : i32
    %dma_wait3A_205 = tpu.memref_slice %arg4[%add3A_196, %dma_wait3A_204] : memref<16384x1024xi32, #tpu.memory_space<hbm>> -> memref<16x1024xi32, #tpu.memory_space<hbm>>
    %dma_wait3A_206 = arith.constant 0 : i32
    %dma_wait3A_207 = arith.constant 0 : i32
    %dma_wait3A_208 = tpu.memref_slice %arg6[%dma_wait3A_197, %dma_wait3A_206, %dma_wait3A_207] : memref<2x16x1024xi32, #tpu.memory_space<vmem>> -> memref<1x16x1024xi32, #tpu.memory_space<vmem>>
    %dma_wait3A_209 = tpu.memref_squeeze %dma_wait3A_208 : memref<1x16x1024xi32, #tpu.memory_space<vmem>> -> memref<16x1024xi32, #tpu.memory_space<vmem>>
    tpu.wait_dma2 semaphore(%arg11 : memref<!tpu.dma_semaphore, #tpu.memory_space<semaphore_mem>>) src(%dma_wait3A_209 : memref<16x1024xi32, #tpu.memory_space<vmem>>) dst(%dma_wait3A_205 : memref<16x1024xi32, #tpu.memory_space<hbm>>)
    %parallel_loop3A_210 = arith.constant 0 : i32
    %parallel_loop3A_211 = arith.constant 16384 : i32
    %parallel_loop3A_212 = arith.constant 16 : i32
    scf.for %parallel_loop3A_258 = %parallel_loop3A_210 to %parallel_loop3A_211 step %parallel_loop3A_212  : i32 {
      %parallel_loop3A_259 = arith.constant 10 : i32
      %parallel_loop3A_260 = arith.shrsi %parallel_loop3A_258, %parallel_loop3A_259 : i32
      %parallel_loop3A_261 = arith.constant 1023 : i32
      %parallel_loop3A_262 = arith.andi %parallel_loop3A_258, %parallel_loop3A_261 : i32
      %parallel_loop3A_263 = arith.constant 1 : i32
      %parallel_loop3A_264 = arith.index_cast %parallel_loop3A_263 : i32 to index
      %parallel_loop3A_265 = arith.index_cast %parallel_loop3A_260 : i32 to index
      %parallel_loop3A_266 = arith.index_cast %parallel_loop3A_262 : i32 to index
      %parallel_loop3A_267 = tpu.vector_load %arg5[%parallel_loop3A_264, %parallel_loop3A_265, %parallel_loop3A_266] {strides = array<i32>} : memref<2x16x1024xf32, #tpu.memory_space<vmem>>, vector<16xf32>,
      %parallel_loop3A_268 = arith.constant 5.000000e+00 : f32
      %parallel_loop3A_269 = vector.broadcast %parallel_loop3A_268 : f32 to vector<16xf32>
      %parallel_loop3A_270 = arith.mulf %parallel_loop3A_267, %parallel_loop3A_269 : vector<16xf32>
      %parallel_loop3A_271 = arith.constant 1.599990e+01 : f32
      %parallel_loop3A_272 = vector.broadcast %parallel_loop3A_271 : f32 to vector<16xf32>
      %parallel_loop3A_273 = arith.addf %parallel_loop3A_270, %parallel_loop3A_272 : vector<16xf32>
      %parallel_loop3A_274 = arith.constant 0.000000e+00 : f32
      %parallel_loop3A_275 = vector.broadcast %parallel_loop3A_274 : f32 to vector<16xf32>
      %parallel_loop3A_276 = arith.maximumf %parallel_loop3A_273, %parallel_loop3A_275 : vector<16xf32>
      %parallel_loop3A_277 = arith.constant 3.100000e+01 : f32
      %parallel_loop3A_278 = vector.broadcast %parallel_loop3A_277 : f32 to vector<16xf32>
      %parallel_loop3A_279 = arith.minimumf %parallel_loop3A_276, %parallel_loop3A_278 : vector<16xf32>
      %parallel_loop3A_280 = arith.fptosi %parallel_loop3A_279 : vector<16xf32> to vector<16xi32>
      %parallel_loop3A_281 = tpu.vector_load_idx %arg7[%parallel_loop3A_280] : memref<32xf32, #tpu.memory_space<vmem>>[vector<16xi32>], vector<16xf32>,
      %parallel_loop3A_282 = arith.cmpf oge, %parallel_loop3A_267, %parallel_loop3A_281 : vector<16xf32>
      %parallel_loop3A_283 = arith.extui %parallel_loop3A_282 : vector<16xi1> to vector<16xi32>
      %parallel_loop3A_284 = arith.addi %parallel_loop3A_280, %parallel_loop3A_283 : vector<16xi32>
      %parallel_loop3A_285 = arith.constant 1 : i32
      %parallel_loop3A_286 = arith.index_cast %parallel_loop3A_285 : i32 to index
      %parallel_loop3A_287 = arith.index_cast %parallel_loop3A_260 : i32 to index
      %parallel_loop3A_288 = arith.index_cast %parallel_loop3A_262 : i32 to index
      %parallel_loop3A_289 = tpu.vector_load %arg6[%parallel_loop3A_286, %parallel_loop3A_287, %parallel_loop3A_288] {strides = array<i32>} : memref<2x16x1024xi32, #tpu.memory_space<vmem>>, vector<16xi32>,
      tpu.vector_store %arg6[%parallel_loop3A_286, %parallel_loop3A_287, %parallel_loop3A_288], %parallel_loop3A_284 {strides = array<i32>} : memref<2x16x1024xi32, #tpu.memory_space<vmem>>, vector<16xi32>,
    } {sc.loop_unroll_factor = 8 : i64, sc.parallel_access}
    %add3A_213 = arith.constant 496 : i32
    %add3A_214 = arith.addi %mul3A_2, %add3A_213 : i32
    %dma_start3A_215 = arith.constant 1 : i32
    %dma_start3A_216 = arith.constant 0 : i32
    %dma_start3A_217 = arith.constant 0 : i32
    %dma_start3A_218 = tpu.memref_slice %arg6[%dma_start3A_215, %dma_start3A_216, %dma_start3A_217] : memref<2x16x1024xi32, #tpu.memory_space<vmem>> -> memref<1x16x1024xi32, #tpu.memory_space<vmem>>
    %dma_start3A_219 = tpu.memref_squeeze %dma_start3A_218 : memref<1x16x1024xi32, #tpu.memory_space<vmem>> -> memref<16x1024xi32, #tpu.memory_space<vmem>>
    %dma_start3A_220 = arith.constant 0 : i32
    %dma_start3A_221 = tpu.memref_slice %arg4[%add3A_214, %dma_start3A_220] : memref<16384x1024xi32, #tpu.memory_space<hbm>> -> memref<16x1024xi32, #tpu.memory_space<hbm>>
    %dma_start3A_222 = arith.constant 0 : i32
    %dma_start3A_223 = tpu.memref_slice %arg4[%add3A_214, %dma_start3A_222] : memref<16384x1024xi32, #tpu.memory_space<hbm>> -> memref<16x1024xi32, #tpu.memory_space<hbm>>
    %dma_start3A_224 = arith.constant 0 : i32
    %dma_start3A_225 = arith.constant 0 : i32
    %dma_start3A_226 = tpu.memref_slice %arg6[%dma_start3A_215, %dma_start3A_224, %dma_start3A_225] : memref<2x16x1024xi32, #tpu.memory_space<vmem>> -> memref<1x16x1024xi32, #tpu.memory_space<vmem>>
    %dma_start3A_227 = tpu.memref_squeeze %dma_start3A_226 : memref<1x16x1024xi32, #tpu.memory_space<vmem>> -> memref<16x1024xi32, #tpu.memory_space<vmem>>
    tpu.enqueue_dma source(%dma_start3A_227 : memref<16x1024xi32, #tpu.memory_space<vmem>>) target(%dma_start3A_223 : memref<16x1024xi32, #tpu.memory_space<hbm>>) target_semaphore(%arg11 : memref<!tpu.dma_semaphore, #tpu.memory_space<semaphore_mem>>)
    %add3A_228 = arith.constant 480 : i32
    %add3A_229 = arith.addi %mul3A_2, %add3A_228 : i32
    %dma_wait3A_230 = arith.constant 0 : i32
    %dma_wait3A_231 = arith.constant 0 : i32
    %dma_wait3A_232 = arith.constant 0 : i32
    %dma_wait3A_233 = tpu.memref_slice %arg6[%dma_wait3A_230, %dma_wait3A_231, %dma_wait3A_232] : memref<2x16x1024xi32, #tpu.memory_space<vmem>> -> memref<1x16x1024xi32, #tpu.memory_space<vmem>>
    %dma_wait3A_234 = tpu.memref_squeeze %dma_wait3A_233 : memref<1x16x1024xi32, #tpu.memory_space<vmem>> -> memref<16x1024xi32, #tpu.memory_space<vmem>>
    %dma_wait3A_235 = arith.constant 0 : i32
    %dma_wait3A_236 = tpu.memref_slice %arg4[%add3A_229, %dma_wait3A_235] : memref<16384x1024xi32, #tpu.memory_space<hbm>> -> memref<16x1024xi32, #tpu.memory_space<hbm>>
    %dma_wait3A_237 = arith.constant 0 : i32
    %dma_wait3A_238 = tpu.memref_slice %arg4[%add3A_229, %dma_wait3A_237] : memref<16384x1024xi32, #tpu.memory_space<hbm>> -> memref<16x1024xi32, #tpu.memory_space<hbm>>
    %dma_wait3A_239 = arith.constant 0 : i32
    %dma_wait3A_240 = arith.constant 0 : i32
    %dma_wait3A_241 = tpu.memref_slice %arg6[%dma_wait3A_230, %dma_wait3A_239, %dma_wait3A_240] : memref<2x16x1024xi32, #tpu.memory_space<vmem>> -> memref<1x16x1024xi32, #tpu.memory_space<vmem>>
    %dma_wait3A_242 = tpu.memref_squeeze %dma_wait3A_241 : memref<1x16x1024xi32, #tpu.memory_space<vmem>> -> memref<16x1024xi32, #tpu.memory_space<vmem>>
    tpu.wait_dma2 semaphore(%arg10 : memref<!tpu.dma_semaphore, #tpu.memory_space<semaphore_mem>>) src(%dma_wait3A_242 : memref<16x1024xi32, #tpu.memory_space<vmem>>) dst(%dma_wait3A_238 : memref<16x1024xi32, #tpu.memory_space<hbm>>)
    %add3A_243 = arith.constant 496 : i32
    %add3A_244 = arith.addi %mul3A_2, %add3A_243 : i32
    %dma_wait3A_245 = arith.constant 1 : i32
    %dma_wait3A_246 = arith.constant 0 : i32
    %dma_wait3A_247 = arith.constant 0 : i32
    %dma_wait3A_248 = tpu.memref_slice %arg6[%dma_wait3A_245, %dma_wait3A_246, %dma_wait3A_247] : memref<2x16x1024xi32, #tpu.memory_space<vmem>> -> memref<1x16x1024xi32, #tpu.memory_space<vmem>>
    %dma_wait3A_249 = tpu.memref_squeeze %dma_wait3A_248 : memref<1x16x1024xi32, #tpu.memory_space<vmem>> -> memref<16x1024xi32, #tpu.memory_space<vmem>>
    %dma_wait3A_250 = arith.constant 0 : i32
    %dma_wait3A_251 = tpu.memref_slice %arg4[%add3A_244, %dma_wait3A_250] : memref<16384x1024xi32, #tpu.memory_space<hbm>> -> memref<16x1024xi32, #tpu.memory_space<hbm>>
    %dma_wait3A_252 = arith.constant 0 : i32
    %dma_wait3A_253 = tpu.memref_slice %arg4[%add3A_244, %dma_wait3A_252] : memref<16384x1024xi32, #tpu.memory_space<hbm>> -> memref<16x1024xi32, #tpu.memory_space<hbm>>
    %dma_wait3A_254 = arith.constant 0 : i32
    %dma_wait3A_255 = arith.constant 0 : i32
    %dma_wait3A_256 = tpu.memref_slice %arg6[%dma_wait3A_245, %dma_wait3A_254, %dma_wait3A_255] : memref<2x16x1024xi32, #tpu.memory_space<vmem>> -> memref<1x16x1024xi32, #tpu.memory_space<vmem>>
    %dma_wait3A_257 = tpu.memref_squeeze %dma_wait3A_256 : memref<1x16x1024xi32, #tpu.memory_space<vmem>> -> memref<16x1024xi32, #tpu.memory_space<vmem>>
    tpu.wait_dma2 semaphore(%arg11 : memref<!tpu.dma_semaphore, #tpu.memory_space<semaphore_mem>>) src(%dma_wait3A_257 : memref<16x1024xi32, #tpu.memory_space<vmem>>) dst(%dma_wait3A_253 : memref<16x1024xi32, #tpu.memory_space<hbm>>)
    return
  }
}

</mosaic_0001>

<sc_bundles>
// kernel: _run.3.cloned.1.call-start
scs
__scs_entry_jumppad:
0x0: {  	(pc) =	sbr.rel $0x88, $3  }
0x1: {  	(tag) =	ssettag $0x0;
	lr =	simm.s32 $0x1  }
0x2: {  	[smem:$0x3F9F] =	sst lr;
	_ =	strace $0xD0000000  }
0x3: {  	_ = 	snop  }
0x4: {  	_ = 	snop  }
0x5: {  	_ = 	snop  }
0x6: {  	_ = 	snop  }
0x7: {  	_ = 	snop  }
__scs_overlays_trampoline_lowered:
0x8: {  	[smem:$0x3FAE] =	sst s0  }
0x9: {  	[smem:$0x3FAF] =	sst s1  }
0xa: {  	[smem:$0x3FB0] =	sst s2  }
0xb: {  	[smem:$0x3FB1] =	sst s3  }
0xc: {  	[smem:$0x3FB2] =	sst s4  }
0xd: {  	[smem:$0x3FB3] =	sst s5  }
0xe: {  	[smem:$0x3FB4] =	sst s6  }
0xf: {  	[smem:$0x3FB5] =	sst s7  }
0x10: {  	[smem:$0x3FB6] =	sst s8  }
0x11: {  	[smem:$0x3FB7] =	sst s9;
	s0 =	simm.s32 @!p0 $0x0  }
0x12: {  	s1 =	sld [smem:$0x3F9D];
	s0 =	simm.s32 @p0 $0x1  }
0x13: {  	[smem:$0x3FB8] =	sst s0;
	s0 =	simm.s32 @!p1 $0x0  }
0x14: {  	s2 =	sld [smem:$0x3F9C];
	s0 =	simm.s32 @p1 $0x1  }
0x15: {  	[smem:$0x3FB9] =	sst s0;
	s0 =	simm.s32 @!p2 $0x0  }
0x16: {  	s3 =	sld [smem:$0x3FDB];
	s0 =	simm.s32 @p2 $0x1  }
0x17: {  	s4 =	simm.s32 $0x1BF5;
	[smem:$0x3FBB] =	sst s0  }
0x18: {  	s0 =	sld [smem:$0x3F9E];
	_ =	swait.ge [sflag:s4], $0x0  }
0x19: {  	s7 =	sld [smem:$0x3F9F]  }
0x1a: {  	s8 =	sadd.s32 $0xFFFFE003, lr  }
0x1b: {  	s9 =	sadd.s32 $0xFFFFFEF7, lr;
	s5 =	simm.s32 $0xFFFFFFFF;
	p2 =	slt.u32 s8, $0xFFFFF086  }
0x1c: {  	p1 =	slt.u32 s9, $0xF7A;
	s5 =	simm.s32 @!p2 $0x0  }
0x1d: {  	s5 =	simm.s32 @p1 $0x1;
	p0 =	seq.s32 s7, s2  }
0x1e: {  	s7 =	smul.u32 @!p0 $0xF7A, s2;
	p2 =	seq.s32 @!p0 s5, $0x0  }
0x1f: {  	s9 =	smul.u32 $0xF7A, s1;
	s8 =	simm.s32 @!p0 $0x1BF5;
	p2 =	por !p2, p0  }
0x20: {  	[sflag:s8] =	ssyncset.s32 @!p0 $0xFFFFF086;
	s6 =	sadd.s32 @!p0 s3, s7;
	s7 =	simm.s32 @!p0 $0x108  }
0x21: {  	s3 =	sadd.s32 s3, s9;
	s6 =	sadd.s32 @!p0 $0x88, s6;
	s7 =	simm.s32 @p2 $0x1082  }
0x22: {  	[simem:s7], [sflag:s8] =	dma.local @!p0 [hbm:s6], $0xF7A  }
0x23: {  	s9 =	sor.u32 $0xD0000000, s2;
	s6 =	simm.s32 $0x108;
	_ =	swait.ge @!p0 [sflag:s8], $0x0  }
0x24: {  	s3 =	sadd.s32 $0x88, s3;
	s6 =	simm.s32 @!p1 $0x1082;
	[sflag:s4] =	ssyncset.s32 $0xFFFFF086  }
0x25: {  	[simem:s6], [sflag:s4] =	dma.local [hbm:s3], $0xF7A  }
0x26: {  	[smem:$0x3F9F] =	sst s1;
	(tag) =	ssettag s2;
	_ =	strace s9  }
0x27: {  	s1 =	sld [smem:$0x3FAF]  }
0x28: {  	s2 =	sld [smem:$0x3FB0]  }
0x29: {  	s4 =	sld [smem:$0x3FB2]  }
0x2a: {  	p0 =	seq.s32 s5, $0x0;
	s5 =	sld [smem:$0x3FB3]  }
0x2b: {  	s6 =	sld [smem:$0x3FB4]  }
0x2c: {  	s7 =	sld [smem:$0x3FB5]  }
0x2d: {  	s3 =	simm.s32 $0x108;
	s8 =	sld [smem:$0x3FB6]  }
0x2e: {  	s3 =	simm.s32 @!p0 $0x1082;
	s9 =	sld [smem:$0x3FB7]  }
0x2f: {  	lr =	sadd.s32 s0, s3;
	s0 =	sld [smem:$0x3FAE]  }
0x30: {  	s3 =	sld [smem:$0x3FB1]  }
0x31: {  	[smem:$0x3FBA] =	sst s10  }
0x32: {  	s10 =	sld [smem:$0x3FB8];
	_ =	sdelay $0x3  }
0x33: {  	p0 =	seq.s32 s10, $0x1;
	s10 =	sld [smem:$0x3FBA];
	_ =	sdelay $0x3  }
0x34: {  	[smem:$0x3FBA] =	sst s10  }
0x35: {  	s10 =	sld [smem:$0x3FB9];
	_ =	sdelay $0x3  }
0x36: {  	p1 =	seq.s32 s10, $0x1;
	s10 =	sld [smem:$0x3FBA];
	_ =	sdelay $0x3  }
0x37: {  	[smem:$0x3FBA] =	sst s10  }
0x38: {  	s10 =	sld [smem:$0x3FBB]  }
0x39: {  	_ = 	snop;
	(pc) =	sbr.ind lr, $3  }
0x3a: {  	_ = 	snop  }
0x3b: {  	_ = 	snop  }
0x3c: {  	p2 =	seq.s32 s10, $0x1;
	s10 =	sld [smem:$0x3FBA]  }
0x3d: {  	_ =	shalt  }
0x3e: {  	_ =	shalt  }
0x3f: {  	_ =	shalt  }
0x40: {  	_ =	shalt  }
0x41: {  	_ =	shalt  }
0x42: {  	_ =	shalt  }
0x43: {  	_ =	shalt  }
0x44: {  	_ =	shalt  }
0x45: {  	_ =	shalt  }
0x46: {  	_ =	shalt  }
0x47: {  	_ =	shalt  }
0x48: {  	_ =	shalt  }
0x49: {  	_ =	shalt  }
0x4a: {  	_ =	shalt  }
0x4b: {  	_ =	shalt  }
0x4c: {  	_ =	shalt  }
0x4d: {  	_ =	shalt  }
0x4e: {  	_ =	shalt  }
0x4f: {  	_ =	shalt  }
0x50: {  	_ =	shalt  }
0x51: {  	_ =	shalt  }
0x52: {  	_ =	shalt  }
0x53: {  	_ =	shalt  }
0x54: {  	_ =	shalt  }
0x55: {  	_ =	shalt  }
0x56: {  	_ =	shalt  }
0x57: {  	_ =	shalt  }
0x58: {  	_ =	shalt  }
0x59: {  	_ =	shalt  }
0x5a: {  	_ =	shalt  }
0x5b: {  	_ =	shalt  }
0x5c: {  	_ =	shalt  }
0x5d: {  	_ =	shalt  }
0x5e: {  	_ =	shalt  }
0x5f: {  	_ =	shalt  }
0x60: {  	_ =	shalt  }
0x61: {  	_ =	shalt  }
0x62: {  	_ =	shalt  }
0x63: {  	_ =	shalt  }
0x64: {  	_ =	shalt  }
0x65: {  	_ =	shalt  }
0x66: {  	_ =	shalt  }
0x67: {  	_ =	shalt  }
0x68: {  	_ =	shalt  }
0x69: {  	_ =	shalt  }
0x6a: {  	_ =	shalt  }
0x6b: {  	_ =	shalt  }
0x6c: {  	_ =	shalt  }
0x6d: {  	_ =	shalt  }
0x6e: {  	_ =	shalt  }
0x6f: {  	_ =	shalt  }
0x70: {  	_ =	shalt  }
0x71: {  	_ =	shalt  }
0x72: {  	_ =	shalt  }
0x73: {  	_ =	shalt  }
0x74: {  	_ =	shalt  }
0x75: {  	_ =	shalt  }
0x76: {  	_ =	shalt  }
0x77: {  	_ =	shalt  }
0x78: {  	_ =	shalt  }
0x79: {  	_ =	shalt  }
0x7a: {  	_ =	shalt  }
0x7b: {  	_ =	shalt  }
0x7c: {  	_ =	shalt  }
0x7d: {  	_ =	shalt  }
0x7e: {  	_ =	shalt  }
0x7f: {  	_ =	shalt  }
0x80: {  	_ =	shalt  }
0x81: {  	_ =	shalt  }
0x82: {  	_ =	shalt  }
0x83: {  	_ =	shalt  }
0x84: {  	_ =	shalt  }
0x85: {  	_ =	shalt  }
0x86: {  	_ =	shalt  }
0x87: {  	_ =	shalt  }
.Lfunc_end0:
.L_simem_size_0:
called_computation_lowered:
.L_overlay_start_0:
0x88: {  	s2 =	sld [smem:$0x3FD9]  }
0x89: {  	s3 =	sld [smem:$0x3FFE];
	_ =	sdelay $0x1  }
0x8a: {  	s1 =	srdreg.scid  }
0x8b: {  	s0 =	sand.u32 $0x1, s1  }
0x8c: {  	s18 =	sshll.u32 s0, $0xA;
	s2 =	sadd.s32 s3, s2  }
0x8d: {  	s2 =	sadd.s32 s2, s18  }
0x8e: {  	[smem:$0x3FC6] =	sst s2  }
0x8f: {  	_ = 	snop  }
0x90: {  	s2 =	sld [smem:$0x3FC9]  }
0x91: {  	s19 =	sld [smem:$0x3FC8]  }
0x92: {  	s4 =	sld [smem:$0x3FD0];
	(tm) =	ssettm $0x1  }
0x93: {  	s5 =	sld [smem:$0x3FFB];
	_ =	sdelay $0x3  }
0x94: {  	_ =	strace s5  }
0x95: {  	s5 =	sld [smem:$0x3FFC];
	_ =	sdelay $0x3  }
0x96: {  	_ =	strace s5  }
0x97: {  	s5 =	sld [smem:$0x3FFD];
	_ =	sdelay $0x3  }
0x98: {  	_ =	strace s5  }
0x99: {  	_ =	strace $0x8FFFFFFF  }
0x9a: {  	s20 =	sld [smem:$0x3FDB];
	_ =	sdelay $0x1  }
0x9b: {  	s6 =	simm.s32 $_scs_section_size  }
0x9c: {  	s7 =	simm.s32 $_size__tile_overlayer_lowered;
	s8 =	simm.s32 $_tile_overlayer_lowered  }
0x9d: {  	s23 =	simm.s32 $0x1BFF;
	s22 =	sshll.u32 s8, $0x1;
	s5 =	sadd.s32 s6, s20  }
0x9e: {  	s9 =	simm.s32 $0x0;
	s21 =	sshll.u32 s7, $0x1;
	s7 =	sadd.s32 s22, s5  }
0x9f: {  	[timem:s9], [sflag:s23] =	dma.local [hbm:s7], s21  }
0xa0: {  	_ =	swait.ge [sflag:s23], s21  }
0xa1: {  	s6 =	ssub.s32 $0x0, s21;
	[sflag:s23] =	ssyncset.done $0x0  }
0xa2: {  	[sflag:s23] =	ssyncadd.s32 s6;
	_ =	sdelay $0x1  }
0xa3: {  	s24 =	simm.s32 $0x1B8B  }
0xa4: {  	_ =	swait.ge [sflag:s24], $0x1  }
0xa5: {  	[sflag:s24] =	ssyncset.done $0x0  }
0xa6: {  	s25 =	simm.s32 $0x1B8E;
	[sflag:s24] =	ssyncadd.s32 $0xFFFFFFFF  }
0xa7: {  	s26 =	simm.s32 $execute0_lowered;
	[smem:$0x3FD2] =	sst s25  }
0xa8: {  	s6 =	sshll.u32 s26, $0x1;
	_ =	strace $0x80000046;
	[dreg:$0x1] =	wrdreg $0xFFFFFFFF  }
0xa9: {  	s28 =	simm.s32 $_size_execute0_lowered;
	s5 =	sadd.s32 s5, s6;
	[dreg:$0x0] =	wrdreg $0x0  }
0xaa: {  	s6 =	sshll.u32 s28, $0x1;
	[dreg:$0x2] =	wrdreg s5  }
0xab: {  	[dreg:$0x3] =	wrdreg s6  }
0xac: {  	[dreg:$0x4] =	wrdreg $0xC0  }
0xad: {  	_ =	task [dreg:s9], $0x5FFFF  }
0xae: {  	[dreg:$0x1] =	wrdreg $0xFFFFFFFF  }
0xaf: {  	[dreg:$0x0] =	wrdreg $0x60  }
0xb0: {  	[dreg:$0x2] =	wrdreg s2  }
0xb1: {  	[dreg:$0x3] =	wrdreg s19  }
0xb2: {  	[dreg:$0x4] =	wrdreg s4  }
0xb3: {  	[dreg:$0x5] =	wrdreg $0x9  }
0xb4: {  	_ =	task.clear_ibuf [dreg:s9], $0x6FFFF;
	_ =	strace $0x90000046  }
0xb5: {  	s29 =	simm.s32 $0x9;
	_ =	strace $0x80000048  }
0xb6: {  	_ =	swait.ge [sflag:s29], $0x1  }
0xb7: {  	[sflag:s29] =	ssyncadd.s32 $0xFFFFFFFF  }
0xb8: {  	_ =	strace $0x90000048  }
0xb9: {  	_ =	sfence  }
0xba: {  	s30 =	sld [smem:$0x0];
	_ =	sdelay $0x2  }
0xbb: {  	s31 =	sshll.u32 s1, $0xD;
	s1 =	sshrl.u32 s1, $0x2  }
0xbc: {  	s3 =	sand.u32 $0x4000, s31;
	s1 =	sadd.s32 s1, s30  }
0xbd: {  	s0 =	sor.u32 s3, s0;
	s1 =	sshll.u32 s1, $0x11  }
0xbe: {  	s0 =	sor.u32 s1, s0  }
0xbf: {  	s0 =	sadd.s32 $0x8F2B, s0  }
0xc0: {  	[sflag:s0] =	ssyncadd.remote.s32 $0x1  }
0xc1: {  	_ =	sfence.sel $0xFFFF  }
0xc2: {  	[dreg:$0x0] =	wrdreg $0xFFFFFFFF;
	(pc) =	sbr.abs _section_cstart, $3  }
0xc3: {  	[dreg:$0x1] =	wrdreg $0xFFFFFFFF  }
0xc4: {  	_ =	task.clear_ibuf [dreg:s9], $0x2FFFF;
	_ =	strace $0x9FFFFFFF  }
0xc5: {  	(tm) =	ssettm $0x7FFFFFFF  }
tec
execute0_lowered:
.L_overlay_start_1:
0x0: {  	(tag) =	ssettag $0x1  }
0x1: {  	s2 =	rddreg [dreg:$0x0];
	s0 =	srdreg.scid  }
0x2: {  	s4 =	rddreg [dreg:$0x2];
	s1 =	stileid.u32  }
0x3: {  	s5 =	simm.s32 $0x0;
	s18 =	simm.s32 $0x4000;
	s19 =	simm.s32 $0x10000  }
0x4: {  	s20 =	simm.s32 $0x5;
	s21 =	simm.s32 $0x1;
	s22 =	simm.s32 $0x8000  }
0x5: {  	s23 =	simm.s32 $0x2;
	s24 =	simm.s32 $0xC000;
	s25 =	simm.s32 $0x3  }
0x6: {  	s26 =	simm.s32 $0x4;
	s28 =	simm.s32 $0x0;
	s0 =	sand.u32 $0x1, s0  }
0x7: {  	s1 =	sshll.u32 s1, $0xA;
	s3 =	sshll.u32 s0, $0x9;
	s0 =	ssub.s32 $0x2, s0  }
0x8: {  	[smem:$0x7FF] =	sst s5;
	s6 =	sor.u32 s3, s1;
	s29 =	sshrl.u32 s0, $0x1  }
0x9: {  	_ =	strace $0x80000047;
	s3 =	sshll.u32 s6, $0x7;
	s0 =	ssub.s32 s0, s29  }
0xa: {  	s13 =	sor.u32 $0x20, s6;
	s14 =	sor.u32 $0x30, s6;
	s30 =	sor.u32 $0x800, s3  }
0xb: {  	s7 =	sadd.s32 s2, s3;
	s9 =	sadd.s32 s4, s3;
	s8 =	sadd.s32 s2, s30  }
0xc: {  	s17 =	smax.u32 s0, $0x1;
	s31 =	sadd.s32 $0x1000, s7;
	[dreg:$0x4] =	wrdreg s8  }
0xd: {  	s1 =	sadd.s32 s4, s30;
	s12 =	sadd.s32 $0x1800, s7;
	[dreg:$0x5] =	wrdreg s31  }
0xe: {  	v0 =	vimm.s32 $0x0;
	s15 =	sadd.s32 $0xF000, s9;
	s16 =	sadd.s32 $0xF800, s9;
	[dreg:$0x6] =	wrdreg s1  }
.LBB2_1:
0xf: {  	[tilespmem:s5], [sflag:$0x1] =	stream.linear.gather [hbm4b:s7+s5], $0x4000, $0x38;
	[tilespmem:$0x10080] =	vst v63  }
0x10: {  	s0 =	rddreg [dreg:$0x4]  }
0x11: {  	[tilespmem:s18], [sflag:$0x2] =	stream.linear.gather [hbm4b:s0+s5], $0x4000, $0x38;
	[tilespmem:$0x10080] =	vst v63  }
0x12: {  	s3 =	rddreg [dreg:$0x1]  }
0x13: {  	[tilespmem:s19], [sflag:$0x5] =	stream.linear.gather [hbm4b:s3+s5], $0x80, $0x38;
	[tilespmem:$0x10080] =	vst v63  }
0x14: {  	_ =	swait.ge [sflag:s20], $0x80  }
0x15: {  	[sflag:s20] =	ssyncset.done $0x0  }
0x16: {  	s8 =	simm.s32 $0x0;
	[sflag:s20] =	ssyncadd.s32 $0xFFFFFF80  }
0x17: {  	s1 =	sand.u32 $0x1C00, s5;
	s0 =	sand.u32 $0x2000, s8;
	_ =	swait.ge [sflag:s21], $0x4000  }
0x18: {  	s10 =	sand.u32 $0x380, s5;
	s0 =	sor.u32 s0, s1;
	[sflag:s21] =	ssyncset.done $0x0  }
0x19: {  	s29 =	sor.u32 s10, s0;
	[sflag:s21] =	ssyncadd.s32 $0xFFFFC000  }
0x1a: {  	v11 =	vld [tilespmem:s29+$0x70]  }
0x1b: {  	v37 =	vld [tilespmem:s29+$0x0]  }
0x1c: {  	v6 =	vld [tilespmem:s29+$0x10]  }
0x1d: {  	v5 =	vld [tilespmem:s29+$0x20]  }
0x1e: {  	v4 =	vld [tilespmem:s29+$0x30]  }
0x1f: {  	v3 =	vld [tilespmem:s29+$0x40]  }
0x20: {  	v2 =	vld [tilespmem:s29+$0x50];
	_ =	sdelay $0x1  }
0x21: {  	v1 =	vmul.f32 $5.000000000e+00, v11  }
0x22: {  	v7 =	vmul.f32 $5.000000000e+00, v37;
	v9 =	vmul.f32 $5.000000000e+00, v6  }
0x23: {  	v10 =	vmul.f32 $5.000000000e+00, v5;
	v12 =	vmul.f32 $5.000000000e+00, v4;
	v8 =	vadd.f32 $1.599989990e+01, v1  }
0x24: {  	v13 =	vmul.f32 $5.000000000e+00, v3;
	v14 =	vmul.f32 $5.000000000e+00, v2  }
0x25: {  	v7 =	vadd.f32 $1.599989990e+01, v7;
	v9 =	vadd.f32 $1.599989990e+01, v9;
	v8 =	vmax.f32 v8, $0.0e+00  }
0x26: {  	v1 =	vld [tilespmem:s29+$0x60];
	v10 =	vadd.f32 $1.599989990e+01, v10;
	v12 =	vadd.f32 $1.599989990e+01, v12;
	v8 =	vmin.f32 v8, $3.100000000e+01  }
0x27: {  	s30 =	simm.s32 $0x80;
	s1 =	simm.s32 $0x400;
	v14 =	vadd.f32 $1.599989990e+01, v14;
	v7 =	vmax.f32 v7, $0.0e+00;
	v8 =	vtrunc.f32 v8  }
0x28: {  	s11 =	sand.u32 $0x2000, s30;
	s8 =	sand.u32 $0x1C00, s1;
	s3 =	simm.s32 $0x10;
	v9 =	vmax.f32 v9, $0.0e+00;
	v10 =	vmax.f32 v10, $0.0e+00;
	v22 =	vcvt.f32.s32 v8  }
0x29: {  	s0 =	sor.u32 s11, s8;
	s31 =	sand.u32 $0x380, s3;
	v12 =	vmax.f32 v12, $0.0e+00;
	v14 =	vmax.f32 v14, $0.0e+00;
	v7 =	vmin.f32 v7, $3.100000000e+01  }
0x2a: {  	s0 =	sor.u32 s31, s0;
	v9 =	vmin.f32 v9, $3.100000000e+01;
	v10 =	vmin.f32 v10, $3.100000000e+01;
	v12 =	vmin.f32 v12, $3.100000000e+01  }
0x2b: {  	v20 =	vld [tilespmem:s0+$0x70];
	v15 =	vtrunc.f32 v7;
	v8 =	vadd.f32 $1.599989990e+01, v13;
	v13 =	vmul.f32 $5.000000000e+00, v1  }
0x2c: {  	v21 =	vld [tilespmem:s0+$0x10];
	v9 =	vtrunc.f32 v9;
	v7 =	vmin.f32 v14, $3.100000000e+01;
	v15 =	vcvt.f32.s32 v15  }
0x2d: {  	v23 =	vtrunc.f32 v7;
	v7 =	vld [tilespmem:s0+$0x0];
	v13 =	vadd.f32 $1.599989990e+01, v13;
	v8 =	vmax.f32 v8, $0.0e+00  }
0x2e: {  	v10 =	vtrunc.f32 v10;
	v14 =	vtrunc.f32 v12;
	v8 =	vmin.f32 v8, $3.100000000e+01;
	v18 =	vld.idx.msk [tilespmem:v22+s19+$0x0], $0xffff  }
0x2f: {  	v19 =	vld [tilespmem:s0+$0x20];
	v16 =	vcvt.f32.s32 v10;
	v13 =	vmax.f32 v13, $0.0e+00;
	v8 =	vtrunc.f32 v8  }
0x30: {  	v17 =	vld [tilespmem:s0+$0x30];
	v12 =	vmin.f32 v13, $3.100000000e+01;
	v13 =	vcvt.f32.s32 v14;
	v10 =	vcvt.f32.s32 v8  }
0x31: {  	v14 =	vld [tilespmem:s0+$0x40];
	v24 =	vtrunc.f32 v12;
	v12 =	vcvt.f32.s32 v9  }
0x32: {  	v9 =	vcvt.f32.s32 v23;
	v23 =	vmul.f32 $5.000000000e+00, v20;
	v38 =	vld.idx.msk [tilespmem:v15+s19+$0x0], $0xffff  }
0x33: {  	v8 =	vcvt.f32.s32 v24;
	v24 =	vmul.f32 $5.000000000e+00, v7;
	vm0 =	vge.f32 v11, v18;
	v11 =	vld [tilespmem:s0+$0x50]  }
0x34: {  	v26 =	vmul.f32 $5.000000000e+00, v21;
	v23 =	vadd.f32 $1.599989990e+01, v23;
	v18 =	vld [tilespmem:s0+$0x60];
	v25 =	vsel vm0, $0x1, v0  }
0x35: {  	v24 =	vadd.f32 $1.599989990e+01, v24;
	v29 =	vadd.s32 v25, v22;
	v22 =	vmul.f32 $5.000000000e+00, v19  }
0x36: {  	v23 =	vmax.f32 v23, $0.0e+00;
	v25 =	vadd.f32 $1.599989990e+01, v26;
	v26 =	vmul.f32 $5.000000000e+00, v17  }
0x37: {  	v23 =	vmin.f32 v23, $3.100000000e+01;
	v30 =	vadd.f32 $1.599989990e+01, v22;
	v22 =	vmul.f32 $5.000000000e+00, v14  }
0x38: {  	v23 =	vtrunc.f32 v23;
	vm0 =	vge.f32 v37, v38;
	v26 =	vadd.f32 $1.599989990e+01, v26  }
0x39: {  	v27 =	vmul.f32 $5.000000000e+00, v11;
	v32 =	vmul.f32 $5.000000000e+00, v18;
	v31 =	vadd.f32 $1.599989990e+01, v22  }
0x3a: {  	v28 =	vld.idx.msk [tilespmem:v12+s19+$0x0], $0xffff;
	v22 =	vcvt.f32.s32 v23;
	v23 =	vmax.f32 v24, $0.0e+00;
	v24 =	vmax.f32 v25, $0.0e+00  }
0x3b: {  	v30 =	vmax.f32 v30, $0.0e+00;
	v34 =	vmax.f32 v26, $0.0e+00;
	v25 =	vld.idx.msk [tilespmem:v13+s19+$0x0], $0xffff;
	v33 =	vadd.f32 $1.599989990e+01, v27  }
0x3c: {  	v26 =	vld.idx.msk [tilespmem:v10+s19+$0x0], $0xffff;
	v32 =	vadd.f32 $1.599989990e+01, v32;
	v35 =	vmin.f32 v23, $3.100000000e+01;
	v39 =	vmin.f32 v24, $3.100000000e+01  }
0x3d: {  	v27 =	vld.idx.msk [tilespmem:v16+s19+$0x0], $0xffff;
	v30 =	vmin.f32 v30, $3.100000000e+01;
	v40 =	vmin.f32 v34, $3.100000000e+01;
	v31 =	vmax.f32 v31, $0.0e+00  }
0x3e: {  	v23 =	vld.idx.msk [tilespmem:v9+s19+$0x0], $0xffff;
	v35 =	vtrunc.f32 v35;
	v33 =	vmax.f32 v33, $0.0e+00;
	v32 =	vmax.f32 v32, $0.0e+00  }
0x3f: {  	v24 =	vld.idx.msk [tilespmem:v8+s19+$0x0], $0xffff;
	v36 =	vmin.f32 v31, $3.100000000e+01;
	v31 =	vtrunc.f32 v39;
	v34 =	vmin.f32 v33, $3.100000000e+01  }
0x40: {  	[tilespmem:s29+$0x8070] =	vst v29;
	v33 =	vmin.f32 v32, $3.100000000e+01;
	v32 =	vtrunc.f32 v30;
	v30 =	vtrunc.f32 v40;
	v29 =	vld.idx.msk [tilespmem:v22+s19+$0x0], $0xffff  }
.LBB2_2:
0x41: {  	s30 =	sadd.s32 $0x80, s30;
	v36 =	vtrunc.f32 v36;
	v34 =	vtrunc.f32 v34;
	s1 =	sadd.s32 $0x400, s1;
	vm1 =	vge.f32 v6, v28;
	v6 =	vmovc v21  }
0x42: {  	v28 =	vcvt.f32.s32 v35;
	v21 =	vtrunc.f32 v33;
	s3 =	sadd.s32 $0x10, s3;
	vm2 =	vge.f32 v5, v27;
	v5 =	vmovc v19;
	s8 =	sand.u32 $0x2000, s30;
	s10 =	sand.u32 $0x1C00, s1  }
0x43: {  	v27 =	vcvt.f32.s32 v31;
	v31 =	vcvt.f32.s32 v32;
	vm3 =	vge.f32 v4, v25;
	v4 =	vmovc v17;
	p0 =	slt.u32 s30, $0x3F80;
	s8 =	sor.u32 s8, s10;
	s10 =	sand.u32 $0x380, s3  }
0x44: {  	v25 =	vcvt.f32.s32 v30;
	vm4 =	vge.f32 v3, v26;
	v3 =	vmovc v14;
	v30 =	vcvt.f32.s32 v36;
	s8 =	sor.u32 s10, s8  }
0x45: {  	v26 =	vcvt.f32.s32 v34;
	v32 =	vcvt.f32.s32 v21;
	vm5 =	vge.f32 v20, v29;
	v20 =	vld [tilespmem:s8+$0x70]  }
0x46: {  	vm6 =	vge.f32 v1, v24;
	v1 =	vmovc v18;
	v14 =	vsel vm5, $0x1, v0;
	vm5 =	vge.f32 v2, v23;
	v2 =	vmovc v11;
	v37 =	vld [tilespmem:s8+$0x0]  }
0x47: {  	v18 =	vsel vm1, $0x1, v0;
	v11 =	vadd.s32 v14, v22;
	v14 =	vsel vm0, $0x1, v0;
	v21 =	vld [tilespmem:s8+$0x10]  }
0x48: {  	v23 =	vsel vm4, $0x1, v0;
	v22 =	vsel vm3, $0x1, v0;
	v19 =	vld [tilespmem:s8+$0x20];
	[tilespmem:s0+$0x8070] =	vst v11;
	v11 =	vsel vm2, $0x1, v0  }
0x49: {  	v33 =	vsel vm6, $0x1, v0;
	v29 =	vsel vm5, $0x1, v0;
	v24 =	vadd.s32 v14, v15;
	v15 =	vmovc v28;
	v17 =	vld [tilespmem:s8+$0x30]  }
0x4a: {  	v18 =	vadd.s32 v18, v12;
	v12 =	vmovc v27;
	v14 =	vld [tilespmem:s8+$0x40];
	v34 =	vmul.f32 $5.000000000e+00, v20;
	[tilespmem:s29+$0x8000] =	vst v24;
	v24 =	vadd.s32 v11, v16  }
0x4b: {  	v23 =	vadd.s32 v23, v10;
	v22 =	vadd.s32 v22, v13;
	v16 =	vmovc v31;
	v35 =	vmul.f32 $5.000000000e+00, v37;
	v11 =	vld [tilespmem:s8+$0x50];
	[tilespmem:s29+$0x8010] =	vst v18  }
0x4c: {  	v10 =	vmovc v30;
	v13 =	vmovc v25;
	v36 =	vmul.f32 $5.000000000e+00, v21;
	v18 =	vld [tilespmem:s8+$0x60];
	v34 =	vadd.f32 $1.599989990e+01, v34;
	[tilespmem:s29+$0x8020] =	vst v24;
	v24 =	vadd.s32 v29, v9  }
0x4d: {  	v9 =	vmovc v26;
	v29 =	vadd.f32 $1.599989990e+01, v35;
	v30 =	vmul.f32 $5.000000000e+00, v19;
	v38 =	vld.idx.msk [tilespmem:v28+s19+$0x0], $0xffff;
	[tilespmem:s29+$0x8030] =	vst v22;
	v22 =	vadd.s32 v33, v8  }
0x4e: {  	v8 =	vmovc v32;
	v33 =	vadd.f32 $1.599989990e+01, v36;
	v26 =	vmul.f32 $5.000000000e+00, v17;
	v34 =	vmax.f32 v34, $0.0e+00;
	v28 =	vld.idx.msk [tilespmem:v27+s19+$0x0], $0xffff;
	[tilespmem:s29+$0x8040] =	vst v23  }
0x4f: {  	v30 =	vadd.f32 $1.599989990e+01, v30;
	v23 =	vmul.f32 $5.000000000e+00, v14;
	v32 =	vmin.f32 v34, $3.100000000e+01;
	v27 =	vld.idx.msk [tilespmem:v31+s19+$0x0], $0xffff;
	[tilespmem:s29+$0x8050] =	vst v24  }
0x50: {  	v24 =	vadd.f32 $1.599989990e+01, v26;
	v31 =	vmul.f32 $5.000000000e+00, v11;
	v26 =	vtrunc.f32 v32;
	v25 =	vld.idx.msk [tilespmem:v25+s19+$0x0], $0xffff;
	[tilespmem:s29+$0x8060] =	vst v22;
	s29 =	smov.u32 s0;
	s0 =	smov.u32 s8  }
0x51: {  	v32 =	vadd.f32 $1.599989990e+01, v23;
	v34 =	vmul.f32 $5.000000000e+00, v18;
	v22 =	vcvt.f32.s32 v26;
	v26 =	vld.idx.msk [tilespmem:v10+s19+$0x0], $0xffff  }
0x52: {  	v29 =	vmax.f32 v29, $0.0e+00;
	v33 =	vmax.f32 v33, $0.0e+00;
	v31 =	vadd.f32 $1.599989990e+01, v31;
	v23 =	vld.idx.msk [tilespmem:v9+s19+$0x0], $0xffff  }
0x53: {  	v30 =	vmax.f32 v30, $0.0e+00;
	v35 =	vmax.f32 v24, $0.0e+00;
	v34 =	vadd.f32 $1.599989990e+01, v34;
	v24 =	vld.idx.msk [tilespmem:v8+s19+$0x0], $0xffff  }
.Ltmp0:
0x54: {  	v29 =	vmin.f32 v29, $3.100000000e+01;
	v32 =	vmax.f32 v32, $0.0e+00;
	v31 =	vmax.f32 v31, $0.0e+00;
	(pc) =	sbr.rel @p0 .LBB2_2-.Ltmp0, $4  }
0x55: {  	v33 =	vmin.f32 v33, $3.100000000e+01;
	v30 =	vmin.f32 v30, $3.100000000e+01;
	v39 =	vmax.f32 v34, $0.0e+00  }
0x56: {  	v40 =	vmin.f32 v35, $3.100000000e+01;
	v36 =	vmin.f32 v32, $3.100000000e+01;
	v34 =	vmin.f32 v31, $3.100000000e+01  }
0x57: {  	v35 =	vtrunc.f32 v29;
	v31 =	vtrunc.f32 v33;
	v33 =	vmin.f32 v39, $3.100000000e+01;
	v29 =	vld.idx.msk [tilespmem:v22+s19+$0x0], $0xffff  }
0x58: {  	vm0 =	vge.f32 v7, v38;
	v7 =	vmovc v37;
	v32 =	vtrunc.f32 v30;
	v30 =	vtrunc.f32 v40  }
0x59: {  	v35 =	vcvt.f32.s32 v35  }
0x5a: {  	v36 =	vtrunc.f32 v36;
	v31 =	vcvt.f32.s32 v31  }
0x5b: {  	v34 =	vtrunc.f32 v34;
	vm1 =	vge.f32 v6, v28;
	v6 =	vcvt.f32.s32 v32  }
0x5c: {  	v28 =	vtrunc.f32 v33;
	v30 =	vcvt.f32.s32 v30;
	vm2 =	vge.f32 v20, v29  }
0x5d: {  	vm3 =	vge.f32 v5, v27;
	v5 =	vcvt.f32.s32 v36;
	v20 =	vsel vm2, $0x1, v0  }
0x5e: {  	v27 =	vcvt.f32.s32 v34;
	v20 =	vadd.s32 v20, v22;
	v22 =	vsel vm0, $0x1, v0  }
0x5f: {  	v28 =	vcvt.f32.s32 v28;
	v29 =	vsel vm1, $0x1, v0;
	[tilespmem:s0+$0x8070] =	vst v20;
	v15 =	vadd.s32 v22, v15;
	v20 =	vld.idx.msk [tilespmem:v35+s19+$0x0], $0xffff  }
0x60: {  	v12 =	vadd.s32 v29, v12;
	vm0 =	vge.f32 v4, v25;
	v4 =	vsel vm3, $0x1, v0;
	[tilespmem:s29+$0x8000] =	vst v15;
	v15 =	vld.idx.msk [tilespmem:v31+s19+$0x0], $0xffff  }
0x61: {  	vm1 =	vge.f32 v3, v26;
	[tilespmem:s29+$0x8010] =	vst v12;
	v3 =	vsel vm0, $0x1, v0;
	v4 =	vadd.s32 v4, v16;
	v12 =	vld.idx.msk [tilespmem:v6+s19+$0x0], $0xffff  }
0x62: {  	vm0 =	vge.f32 v2, v23;
	v2 =	vsel vm1, $0x1, v0;
	v3 =	vadd.s32 v3, v13;
	[tilespmem:s29+$0x8020] =	vst v4;
	v4 =	vld.idx.msk [tilespmem:v30+s19+$0x0], $0xffff  }
0x63: {  	vm1 =	vge.f32 v1, v24;
	v1 =	vsel vm0, $0x1, v0;
	v2 =	vadd.s32 v2, v10;
	[tilespmem:s29+$0x8030] =	vst v3;
	v3 =	vld.idx.msk [tilespmem:v5+s19+$0x0], $0xffff  }
0x64: {  	v10 =	vsel vm1, $0x1, v0;
	v1 =	vadd.s32 v1, v9;
	[tilespmem:s29+$0x8040] =	vst v2;
	v2 =	vld.idx.msk [tilespmem:v27+s19+$0x0], $0xffff;
	vm0 =	vge.f32 v7, v20  }
0x65: {  	[tilespmem:s29+$0x8050] =	vst v1;
	v1 =	vld.idx.msk [tilespmem:v28+s19+$0x0], $0xffff;
	v7 =	vadd.s32 v10, v8;
	vm1 =	vge.f32 v21, v15;
	v8 =	vsel vm0, $0x1, v0  }
0x66: {  	[tilespmem:s29+$0x8060] =	vst v7;
	vm0 =	vge.f32 v19, v12;
	v7 =	vsel vm1, $0x1, v0;
	v8 =	vadd.s32 v8, v35  }
0x67: {  	vm1 =	vge.f32 v17, v4;
	v4 =	vsel vm0, $0x1, v0;
	[tilespmem:s0+$0x8000] =	vst v8;
	v7 =	vadd.s32 v7, v31  }
0x68: {  	vm0 =	vge.f32 v14, v3;
	v3 =	vsel vm1, $0x1, v0;
	v4 =	vadd.s32 v4, v6;
	[tilespmem:s0+$0x8010] =	vst v7  }
0x69: {  	vm1 =	vge.f32 v11, v2;
	v2 =	vsel vm0, $0x1, v0;
	v3 =	vadd.s32 v3, v30;
	[tilespmem:s0+$0x8020] =	vst v4  }
0x6a: {  	vm0 =	vge.f32 v18, v1;
	v1 =	vsel vm1, $0x1, v0;
	v2 =	vadd.s32 v2, v5;
	[tilespmem:s0+$0x8030] =	vst v3  }
0x6b: {  	v3 =	vsel vm0, $0x1, v0;
	v1 =	vadd.s32 v1, v27;
	[tilespmem:s0+$0x8040] =	vst v2  }
0x6c: {  	v2 =	vadd.s32 v3, v28;
	[tilespmem:s0+$0x8050] =	vst v1  }
0x6d: {  	s8 =	simm.s32 $0x0;
	[tilespmem:s0+$0x8060] =	vst v2  }
0x6e: {  	[hbm4b:s9+s8] =	stream.linear.scatter [tilespmem:s22], [sflag:$0x3], $0x4000, $0x38;
	[tilespmem:$0x10080] =	vst v63  }
0x6f: {  	s10 =	simm.s32 $0x0;
	s1 =	rddreg [dreg:$0x5]  }
0x70: {  	[tilespmem:s8], [sflag:$0x1] =	stream.linear.gather [hbm4b:s1+s8], $0x4000, $0x38;
	[tilespmem:$0x10080] =	vst v63  }
0x71: {  	s3 =	sand.u32 $0x1C00, s8;
	s1 =	sand.u32 $0x2000, s10;
	_ =	swait.ge [sflag:s23], $0x4000  }
0x72: {  	s0 =	sand.u32 $0x380, s8;
	s1 =	sor.u32 s1, s3;
	[sflag:s23] =	ssyncset.done $0x0  }
0x73: {  	s29 =	sor.u32 s0, s1;
	[sflag:s23] =	ssyncadd.s32 $0xFFFFC000  }
0x74: {  	v11 =	vld [tilespmem:s29+$0x4070]  }
0x75: {  	v37 =	vld [tilespmem:s29+$0x4000]  }
0x76: {  	v6 =	vld [tilespmem:s29+$0x4010]  }
0x77: {  	v5 =	vld [tilespmem:s29+$0x4020]  }
0x78: {  	v4 =	vld [tilespmem:s29+$0x4030]  }
0x79: {  	v3 =	vld [tilespmem:s29+$0x4040]  }
0x7a: {  	v2 =	vld [tilespmem:s29+$0x4050];
	_ =	sdelay $0x1  }
0x7b: {  	v1 =	vmul.f32 $5.000000000e+00, v11  }
0x7c: {  	v7 =	vmul.f32 $5.000000000e+00, v37;
	v9 =	vmul.f32 $5.000000000e+00, v6  }
0x7d: {  	v10 =	vmul.f32 $5.000000000e+00, v5;
	v12 =	vmul.f32 $5.000000000e+00, v4;
	v8 =	vadd.f32 $1.599989990e+01, v1  }
0x7e: {  	v13 =	vmul.f32 $5.000000000e+00, v3;
	v14 =	vmul.f32 $5.000000000e+00, v2  }
0x7f: {  	v7 =	vadd.f32 $1.599989990e+01, v7;
	v9 =	vadd.f32 $1.599989990e+01, v9;
	v8 =	vmax.f32 v8, $0.0e+00  }
0x80: {  	v1 =	vld [tilespmem:s29+$0x4060];
	v10 =	vadd.f32 $1.599989990e+01, v10;
	v12 =	vadd.f32 $1.599989990e+01, v12;
	v8 =	vmin.f32 v8, $3.100000000e+01  }
0x81: {  	s30 =	simm.s32 $0x80;
	s1 =	simm.s32 $0x400;
	v14 =	vadd.f32 $1.599989990e+01, v14;
	v7 =	vmax.f32 v7, $0.0e+00;
	v8 =	vtrunc.f32 v8  }
0x82: {  	s11 =	sand.u32 $0x2000, s30;
	s3 =	simm.s32 $0x10;
	s8 =	sand.u32 $0x1C00, s1;
	v9 =	vmax.f32 v9, $0.0e+00;
	v10 =	vmax.f32 v10, $0.0e+00;
	v22 =	vcvt.f32.s32 v8  }
0x83: {  	s31 =	sand.u32 $0x380, s3;
	s0 =	sor.u32 s11, s8;
	v12 =	vmax.f32 v12, $0.0e+00;
	v14 =	vmax.f32 v14, $0.0e+00;
	v7 =	vmin.f32 v7, $3.100000000e+01  }
0x84: {  	s0 =	sor.u32 s31, s0;
	v9 =	vmin.f32 v9, $3.100000000e+01;
	v10 =	vmin.f32 v10, $3.100000000e+01;
	v12 =	vmin.f32 v12, $3.100000000e+01  }
0x85: {  	v20 =	vld [tilespmem:s0+$0x4070];
	v15 =	vtrunc.f32 v7;
	v8 =	vadd.f32 $1.599989990e+01, v13;
	v13 =	vmul.f32 $5.000000000e+00, v1  }
0x86: {  	v21 =	vld [tilespmem:s0+$0x4010];
	v9 =	vtrunc.f32 v9;
	v7 =	vmin.f32 v14, $3.100000000e+01;
	v15 =	vcvt.f32.s32 v15  }
0x87: {  	v23 =	vtrunc.f32 v7;
	v7 =	vld [tilespmem:s0+$0x4000];
	v13 =	vadd.f32 $1.599989990e+01, v13;
	v8 =	vmax.f32 v8, $0.0e+00  }
0x88: {  	v10 =	vtrunc.f32 v10;
	v14 =	vtrunc.f32 v12;
	v8 =	vmin.f32 v8, $3.100000000e+01;
	v18 =	vld.idx.msk [tilespmem:v22+s19+$0x0], $0xffff  }
0x89: {  	v19 =	vld [tilespmem:s0+$0x4020];
	v16 =	vcvt.f32.s32 v10;
	v13 =	vmax.f32 v13, $0.0e+00;
	v8 =	vtrunc.f32 v8  }
0x8a: {  	v17 =	vld [tilespmem:s0+$0x4030];
	v12 =	vmin.f32 v13, $3.100000000e+01;
	v13 =	vcvt.f32.s32 v14;
	v10 =	vcvt.f32.s32 v8  }
0x8b: {  	v14 =	vld [tilespmem:s0+$0x4040];
	v24 =	vtrunc.f32 v12;
	v12 =	vcvt.f32.s32 v9  }
0x8c: {  	v9 =	vcvt.f32.s32 v23;
	v23 =	vmul.f32 $5.000000000e+00, v20;
	v38 =	vld.idx.msk [tilespmem:v15+s19+$0x0], $0xffff  }
0x8d: {  	v8 =	vcvt.f32.s32 v24;
	v24 =	vmul.f32 $5.000000000e+00, v7;
	vm0 =	vge.f32 v11, v18;
	v11 =	vld [tilespmem:s0+$0x4050]  }
0x8e: {  	v26 =	vmul.f32 $5.000000000e+00, v21;
	v23 =	vadd.f32 $1.599989990e+01, v23;
	v18 =	vld [tilespmem:s0+$0x4060];
	v25 =	vsel vm0, $0x1, v0  }
0x8f: {  	v24 =	vadd.f32 $1.599989990e+01, v24;
	v29 =	vadd.s32 v25, v22;
	v22 =	vmul.f32 $5.000000000e+00, v19  }
0x90: {  	v23 =	vmax.f32 v23, $0.0e+00;
	v25 =	vadd.f32 $1.599989990e+01, v26;
	v26 =	vmul.f32 $5.000000000e+00, v17  }
0x91: {  	v23 =	vmin.f32 v23, $3.100000000e+01;
	v30 =	vadd.f32 $1.599989990e+01, v22;
	v22 =	vmul.f32 $5.000000000e+00, v14  }
0x92: {  	v23 =	vtrunc.f32 v23;
	vm0 =	vge.f32 v37, v38;
	v26 =	vadd.f32 $1.599989990e+01, v26  }
0x93: {  	v27 =	vmul.f32 $5.000000000e+00, v11;
	v60 =	vmul.f32 $5.000000000e+00, v18;
	v31 =	vadd.f32 $1.599989990e+01, v22  }
0x94: {  	v28 =	vld.idx.msk [tilespmem:v12+s19+$0x0], $0xffff;
	v22 =	vcvt.f32.s32 v23;
	v23 =	vmax.f32 v24, $0.0e+00;
	v24 =	vmax.f32 v25, $0.0e+00  }
0x95: {  	v30 =	vmax.f32 v30, $0.0e+00;
	v62 =	vmax.f32 v26, $0.0e+00;
	v25 =	vld.idx.msk [tilespmem:v13+s19+$0x0], $0xffff;
	v61 =	vadd.f32 $1.599989990e+01, v27  }
0x96: {  	v26 =	vld.idx.msk [tilespmem:v10+s19+$0x0], $0xffff;
	v32 =	vadd.f32 $1.599989990e+01, v60;
	v63 =	vmin.f32 v23, $3.100000000e+01;
	v39 =	vmin.f32 v24, $3.100000000e+01  }
0x97: {  	v27 =	vld.idx.msk [tilespmem:v16+s19+$0x0], $0xffff;
	v30 =	vmin.f32 v30, $3.100000000e+01;
	v40 =	vmin.f32 v62, $3.100000000e+01;
	v31 =	vmax.f32 v31, $0.0e+00  }
0x98: {  	v23 =	vld.idx.msk [tilespmem:v9+s19+$0x0], $0xffff;
	v35 =	vtrunc.f32 v63;
	v33 =	vmax.f32 v61, $0.0e+00;
	v32 =	vmax.f32 v32, $0.0e+00  }
0x99: {  	v24 =	vld.idx.msk [tilespmem:v8+s19+$0x0], $0xffff;
	v36 =	vmin.f32 v31, $3.100000000e+01;
	v31 =	vtrunc.f32 v39;
	v34 =	vmin.f32 v33, $3.100000000e+01  }
0x9a: {  	[tilespmem:s29+$0xC070] =	vst v29;
	v33 =	vmin.f32 v32, $3.100000000e+01;
	v32 =	vtrunc.f32 v30;
	v30 =	vtrunc.f32 v40;
	v29 =	vld.idx.msk [tilespmem:v22+s19+$0x0], $0xffff  }
.LBB2_4:
0x9b: {  	s30 =	sadd.s32 $0x80, s30;
	v36 =	vtrunc.f32 v36;
	v34 =	vtrunc.f32 v34;
	s1 =	sadd.s32 $0x400, s1;
	vm1 =	vge.f32 v6, v28;
	v6 =	vmovc v21  }
0x9c: {  	v28 =	vcvt.f32.s32 v35;
	v21 =	vtrunc.f32 v33;
	s3 =	sadd.s32 $0x10, s3;
	vm2 =	vge.f32 v5, v27;
	v5 =	vmovc v19;
	s8 =	sand.u32 $0x2000, s30;
	s10 =	sand.u32 $0x1C00, s1  }
0x9d: {  	v27 =	vcvt.f32.s32 v31;
	v31 =	vcvt.f32.s32 v32;
	vm3 =	vge.f32 v4, v25;
	v4 =	vmovc v17;
	p0 =	slt.u32 s30, $0x3F80;
	s8 =	sor.u32 s8, s10;
	s10 =	sand.u32 $0x380, s3  }
0x9e: {  	v25 =	vcvt.f32.s32 v30;
	vm4 =	vge.f32 v3, v26;
	v3 =	vmovc v14;
	v30 =	vcvt.f32.s32 v36;
	s8 =	sor.u32 s10, s8  }
0x9f: {  	v26 =	vcvt.f32.s32 v34;
	v32 =	vcvt.f32.s32 v21;
	vm5 =	vge.f32 v20, v29;
	v20 =	vld [tilespmem:s8+$0x4070]  }
0xa0: {  	vm6 =	vge.f32 v1, v24;
	v1 =	vmovc v18;
	v14 =	vsel vm5, $0x1, v0;
	vm5 =	vge.f32 v2, v23;
	v2 =	vmovc v11;
	v37 =	vld [tilespmem:s8+$0x4000]  }
0xa1: {  	v18 =	vsel vm1, $0x1, v0;
	v11 =	vadd.s32 v14, v22;
	v14 =	vsel vm0, $0x1, v0;
	v21 =	vld [tilespmem:s8+$0x4010]  }
0xa2: {  	v23 =	vsel vm4, $0x1, v0;
	v22 =	vsel vm3, $0x1, v0;
	v19 =	vld [tilespmem:s8+$0x4020];
	[tilespmem:s0+$0xC070] =	vst v11;
	v11 =	vsel vm2, $0x1, v0  }
0xa3: {  	v33 =	vsel vm6, $0x1, v0;
	v29 =	vsel vm5, $0x1, v0;
	v24 =	vadd.s32 v14, v15;
	v15 =	vmovc v28;
	v17 =	vld [tilespmem:s8+$0x4030]  }
0xa4: {  	v18 =	vadd.s32 v18, v12;
	v12 =	vmovc v27;
	v14 =	vld [tilespmem:s8+$0x4040];
	v34 =	vmul.f32 $5.000000000e+00, v20;
	[tilespmem:s29+$0xC000] =	vst v24;
	v24 =	vadd.s32 v11, v16  }
0xa5: {  	v23 =	vadd.s32 v23, v10;
	v22 =	vadd.s32 v22, v13;
	v16 =	vmovc v31;
	v35 =	vmul.f32 $5.000000000e+00, v37;
	v11 =	vld [tilespmem:s8+$0x4050];
	[tilespmem:s29+$0xC010] =	vst v18  }
0xa6: {  	v10 =	vmovc v30;
	v13 =	vmovc v25;
	v36 =	vmul.f32 $5.000000000e+00, v21;
	v18 =	vld [tilespmem:s8+$0x4060];
	v34 =	vadd.f32 $1.599989990e+01, v34;
	[tilespmem:s29+$0xC020] =	vst v24;
	v24 =	vadd.s32 v29, v9  }
0xa7: {  	v9 =	vmovc v26;
	v29 =	vadd.f32 $1.599989990e+01, v35;
	v30 =	vmul.f32 $5.000000000e+00, v19;
	v38 =	vld.idx.msk [tilespmem:v28+s19+$0x0], $0xffff;
	[tilespmem:s29+$0xC030] =	vst v22;
	v22 =	vadd.s32 v33, v8  }
0xa8: {  	v8 =	vmovc v32;
	v33 =	vadd.f32 $1.599989990e+01, v36;
	v26 =	vmul.f32 $5.000000000e+00, v17;
	v34 =	vmax.f32 v34, $0.0e+00;
	v28 =	vld.idx.msk [tilespmem:v27+s19+$0x0], $0xffff;
	[tilespmem:s29+$0xC040] =	vst v23  }
0xa9: {  	v30 =	vadd.f32 $1.599989990e+01, v30;
	v23 =	vmul.f32 $5.000000000e+00, v14;
	v32 =	vmin.f32 v34, $3.100000000e+01;
	v27 =	vld.idx.msk [tilespmem:v31+s19+$0x0], $0xffff;
	[tilespmem:s29+$0xC050] =	vst v24  }
0xaa: {  	v24 =	vadd.f32 $1.599989990e+01, v26;
	v31 =	vmul.f32 $5.000000000e+00, v11;
	v26 =	vtrunc.f32 v32;
	v25 =	vld.idx.msk [tilespmem:v25+s19+$0x0], $0xffff;
	[tilespmem:s29+$0xC060] =	vst v22;
	s29 =	smov.u32 s0;
	s0 =	smov.u32 s8  }
0xab: {  	v32 =	vadd.f32 $1.599989990e+01, v23;
	v34 =	vmul.f32 $5.000000000e+00, v18;
	v22 =	vcvt.f32.s32 v26;
	v26 =	vld.idx.msk [tilespmem:v10+s19+$0x0], $0xffff  }
0xac: {  	v29 =	vmax.f32 v29, $0.0e+00;
	v33 =	vmax.f32 v33, $0.0e+00;
	v31 =	vadd.f32 $1.599989990e+01, v31;
	v23 =	vld.idx.msk [tilespmem:v9+s19+$0x0], $0xffff  }
0xad: {  	v30 =	vmax.f32 v30, $0.0e+00;
	v35 =	vmax.f32 v24, $0.0e+00;
	v34 =	vadd.f32 $1.599989990e+01, v34;
	v24 =	vld.idx.msk [tilespmem:v8+s19+$0x0], $0xffff  }
.Ltmp1:
0xae: {  	v29 =	vmin.f32 v29, $3.100000000e+01;
	v32 =	vmax.f32 v32, $0.0e+00;
	v31 =	vmax.f32 v31, $0.0e+00;
	(pc) =	sbr.rel @p0 .LBB2_4-.Ltmp1, $4  }
0xaf: {  	v33 =	vmin.f32 v33, $3.100000000e+01;
	v30 =	vmin.f32 v30, $3.100000000e+01;
	v39 =	vmax.f32 v34, $0.0e+00  }
0xb0: {  	v40 =	vmin.f32 v35, $3.100000000e+01;
	v36 =	vmin.f32 v32, $3.100000000e+01;
	v34 =	vmin.f32 v31, $3.100000000e+01  }
0xb1: {  	v35 =	vtrunc.f32 v29;
	v31 =	vtrunc.f32 v33;
	v33 =	vmin.f32 v39, $3.100000000e+01;
	v29 =	vld.idx.msk [tilespmem:v22+s19+$0x0], $0xffff  }
0xb2: {  	vm0 =	vge.f32 v7, v38;
	v7 =	vmovc v37;
	v32 =	vtrunc.f32 v30;
	v30 =	vtrunc.f32 v40  }
0xb3: {  	v35 =	vcvt.f32.s32 v35  }
0xb4: {  	v36 =	vtrunc.f32 v36;
	v31 =	vcvt.f32.s32 v31  }
0xb5: {  	v34 =	vtrunc.f32 v34;
	vm1 =	vge.f32 v6, v28;
	v48 =	vcvt.f32.s32 v32  }
0xb6: {  	v49 =	vtrunc.f32 v33;
	v30 =	vcvt.f32.s32 v30;
	vm3 =	vge.f32 v5, v27  }
0xb7: {  	v52 =	vsel vm0, $0x1, v0;
	vm5 =	vge.f32 v4, v25;
	v50 =	vcvt.f32.s32 v36  }
0xb8: {  	v51 =	vcvt.f32.s32 v34;
	v53 =	vsel vm1, $0x1, v0;
	v15 =	vadd.s32 v52, v15  }
0xb9: {  	v28 =	vcvt.f32.s32 v49;
	v55 =	vsel vm3, $0x1, v0;
	[tilespmem:s29+$0xC000] =	vst v15;
	v12 =	vadd.s32 v53, v12;
	v54 =	vld.idx.msk [tilespmem:v35+s19+$0x0], $0xffff  }
0xba: {  	vm6 =	vge.f32 v3, v26;
	v3 =	vsel vm5, $0x1, v0;
	v4 =	vadd.s32 v55, v16;
	[tilespmem:s29+$0xC010] =	vst v12;
	v56 =	vld.idx.msk [tilespmem:v31+s19+$0x0], $0xffff  }
0xbb: {  	vm7 =	vge.f32 v2, v23;
	v2 =	vsel vm6, $0x1, v0;
	v3 =	vadd.s32 v3, v13;
	[tilespmem:s29+$0xC020] =	vst v4;
	v57 =	vld.idx.msk [tilespmem:v48+s19+$0x0], $0xffff  }
0xbc: {  	vm8 =	vge.f32 v1, v24;
	v1 =	vsel vm7, $0x1, v0;
	v2 =	vadd.s32 v2, v10;
	[tilespmem:s29+$0xC030] =	vst v3;
	v58 =	vld.idx.msk [tilespmem:v30+s19+$0x0], $0xffff  }
0xbd: {  	v59 =	vsel vm8, $0x1, v0;
	v1 =	vadd.s32 v1, v9;
	vm2 =	vge.f32 v20, v29;
	[tilespmem:s29+$0xC040] =	vst v2;
	v3 =	vld.idx.msk [tilespmem:v50+s19+$0x0], $0xffff  }
0xbe: {  	v60 =	vadd.s32 v59, v8;
	[tilespmem:s29+$0xC050] =	vst v1;
	v20 =	vsel vm2, $0x1, v0;
	v2 =	vld.idx.msk [tilespmem:v51+s19+$0x0], $0xffff;
	vm9 =	vge.f32 v7, v54  }
0xbf: {  	[tilespmem:s29+$0xC060] =	vst v60;
	v20 =	vadd.s32 v20, v22;
	v1 =	vld.idx.msk [tilespmem:v28+s19+$0x0], $0xffff;
	vm10 =	vge.f32 v21, v56;
	v61 =	vsel vm9, $0x1, v0  }
0xc0: {  	[tilespmem:s0+$0xC070] =	vst v20;
	vm11 =	vge.f32 v19, v57;
	v62 =	vsel vm10, $0x1, v0;
	v8 =	vadd.s32 v61, v35  }
0xc1: {  	vm12 =	vge.f32 v17, v58;
	v63 =	vsel vm11, $0x1, v0;
	v7 =	vadd.s32 v62, v31;
	[tilespmem:s0+$0xC000] =	vst v8  }
0xc2: {  	vm13 =	vge.f32 v14, v3;
	v3 =	vsel vm12, $0x1, v0;
	v4 =	vadd.s32 v63, v48;
	[tilespmem:s0+$0xC010] =	vst v7  }
0xc3: {  	vm14 =	vge.f32 v11, v2;
	v2 =	vsel vm13, $0x1, v0;
	v3 =	vadd.s32 v3, v30;
	[tilespmem:s0+$0xC020] =	vst v4  }
0xc4: {  	vm15 =	vge.f32 v18, v1;
	v1 =	vsel vm14, $0x1, v0;
	v2 =	vadd.s32 v2, v50;
	[tilespmem:s0+$0xC030] =	vst v3  }
0xc5: {  	v3 =	vsel vm15, $0x1, v0;
	v1 =	vadd.s32 v1, v51;
	[tilespmem:s0+$0xC040] =	vst v2  }
0xc6: {  	v2 =	vadd.s32 v3, v28;
	[tilespmem:s0+$0xC050] =	vst v1  }
0xc7: {  	[tilespmem:s0+$0xC060] =	vst v2  }
0xc8: {  	s0 =	rddreg [dreg:$0x6]  }
0xc9: {  	[hbm4b:s0+s5] =	stream.linear.scatter [tilespmem:s24], [sflag:$0x4], $0x4000, $0x38;
	[tilespmem:$0x10080] =	vst v63  }
0xca: {  	s29 =	simm.s32 $0x1  }
0xcb: {  	[tilespmem:s18], [sflag:$0x2] =	stream.linear.gather [hbm4b:s12+s5], $0x4000, $0x38;
	[tilespmem:$0x10080] =	vst v63  }
.LBB2_6:
0xcc: {  	_ =	swait.ge [sflag:s21], $0x4000  }
0xcd: {  	[sflag:s21] =	ssyncset.done $0x0  }
0xce: {  	s0 =	simm.s32 $0x0;
	s1 =	simm.s32 $0x0;
	[sflag:s21] =	ssyncadd.s32 $0xFFFFC000  }
0xcf: {  	s1 =	sand.u32 $0x2000, s1;
	s3 =	sand.u32 $0x1C00, s0;
	_ =	swait.ge [sflag:s25], $0x4000  }
0xd0: {  	s0 =	sand.u32 $0x380, s0;
	s1 =	sor.u32 s1, s3;
	[sflag:s25] =	ssyncset.done $0x0  }
0xd1: {  	s30 =	sor.u32 s0, s1;
	[sflag:s25] =	ssyncadd.s32 $0xFFFFC000  }
0xd2: {  	v11 =	vld [tilespmem:s30+$0x70]  }
0xd3: {  	v37 =	vld [tilespmem:s30+$0x0]  }
0xd4: {  	v6 =	vld [tilespmem:s30+$0x10]  }
0xd5: {  	v5 =	vld [tilespmem:s30+$0x20]  }
0xd6: {  	v4 =	vld [tilespmem:s30+$0x30]  }
0xd7: {  	v3 =	vld [tilespmem:s30+$0x40]  }
0xd8: {  	v2 =	vld [tilespmem:s30+$0x50];
	_ =	sdelay $0x1  }
0xd9: {  	v1 =	vmul.f32 $5.000000000e+00, v11  }
0xda: {  	v7 =	vmul.f32 $5.000000000e+00, v37;
	v9 =	vmul.f32 $5.000000000e+00, v6  }
0xdb: {  	v10 =	vmul.f32 $5.000000000e+00, v5;
	v12 =	vmul.f32 $5.000000000e+00, v4;
	v8 =	vadd.f32 $1.599989990e+01, v1  }
0xdc: {  	v13 =	vmul.f32 $5.000000000e+00, v3;
	v14 =	vmul.f32 $5.000000000e+00, v2  }
0xdd: {  	v7 =	vadd.f32 $1.599989990e+01, v7;
	v9 =	vadd.f32 $1.599989990e+01, v9;
	v8 =	vmax.f32 v8, $0.0e+00  }
0xde: {  	v1 =	vld [tilespmem:s30+$0x60];
	v10 =	vadd.f32 $1.599989990e+01, v10;
	v12 =	vadd.f32 $1.599989990e+01, v12;
	v8 =	vmin.f32 v8, $3.100000000e+01  }
0xdf: {  	s31 =	simm.s32 $0x80;
	s1 =	simm.s32 $0x400;
	v14 =	vadd.f32 $1.599989990e+01, v14;
	v7 =	vmax.f32 v7, $0.0e+00;
	v8 =	vtrunc.f32 v8  }
0xe0: {  	s10 =	sand.u32 $0x2000, s31;
	s3 =	simm.s32 $0x10;
	s8 =	sand.u32 $0x1C00, s1;
	v9 =	vmax.f32 v9, $0.0e+00;
	v10 =	vmax.f32 v10, $0.0e+00;
	v22 =	vcvt.f32.s32 v8  }
0xe1: {  	s11 =	sand.u32 $0x380, s3;
	s0 =	sor.u32 s10, s8;
	v12 =	vmax.f32 v12, $0.0e+00;
	v14 =	vmax.f32 v14, $0.0e+00;
	v7 =	vmin.f32 v7, $3.100000000e+01  }
0xe2: {  	s0 =	sor.u32 s11, s0;
	v9 =	vmin.f32 v9, $3.100000000e+01;
	v10 =	vmin.f32 v10, $3.100000000e+01;
	v12 =	vmin.f32 v12, $3.100000000e+01  }
0xe3: {  	v20 =	vld [tilespmem:s0+$0x70];
	v15 =	vtrunc.f32 v7;
	v8 =	vadd.f32 $1.599989990e+01, v13;
	v13 =	vmul.f32 $5.000000000e+00, v1  }
0xe4: {  	v21 =	vld [tilespmem:s0+$0x10];
	v9 =	vtrunc.f32 v9;
	v7 =	vmin.f32 v14, $3.100000000e+01;
	v15 =	vcvt.f32.s32 v15  }
0xe5: {  	v23 =	vtrunc.f32 v7;
	v7 =	vld [tilespmem:s0+$0x0];
	v13 =	vadd.f32 $1.599989990e+01, v13;
	v8 =	vmax.f32 v8, $0.0e+00  }
0xe6: {  	v10 =	vtrunc.f32 v10;
	v14 =	vtrunc.f32 v12;
	v8 =	vmin.f32 v8, $3.100000000e+01;
	v18 =	vld.idx.msk [tilespmem:v22+s19+$0x0], $0xffff  }
0xe7: {  	v19 =	vld [tilespmem:s0+$0x20];
	v16 =	vcvt.f32.s32 v10;
	v13 =	vmax.f32 v13, $0.0e+00;
	v8 =	vtrunc.f32 v8  }
0xe8: {  	v17 =	vld [tilespmem:s0+$0x30];
	v12 =	vmin.f32 v13, $3.100000000e+01;
	v13 =	vcvt.f32.s32 v14;
	v10 =	vcvt.f32.s32 v8  }
0xe9: {  	v14 =	vld [tilespmem:s0+$0x40];
	v24 =	vtrunc.f32 v12;
	v12 =	vcvt.f32.s32 v9  }
0xea: {  	v9 =	vcvt.f32.s32 v23;
	v23 =	vmul.f32 $5.000000000e+00, v20;
	v38 =	vld.idx.msk [tilespmem:v15+s19+$0x0], $0xffff  }
0xeb: {  	v8 =	vcvt.f32.s32 v24;
	v24 =	vmul.f32 $5.000000000e+00, v7;
	vm0 =	vge.f32 v11, v18;
	v11 =	vld [tilespmem:s0+$0x50]  }
0xec: {  	v26 =	vmul.f32 $5.000000000e+00, v21;
	v23 =	vadd.f32 $1.599989990e+01, v23;
	v18 =	vld [tilespmem:s0+$0x60];
	v25 =	vsel vm0, $0x1, v0  }
0xed: {  	v24 =	vadd.f32 $1.599989990e+01, v24;
	v29 =	vadd.s32 v25, v22;
	v22 =	vmul.f32 $5.000000000e+00, v19  }
0xee: {  	v23 =	vmax.f32 v23, $0.0e+00;
	v25 =	vadd.f32 $1.599989990e+01, v26;
	v26 =	vmul.f32 $5.000000000e+00, v17  }
0xef: {  	v23 =	vmin.f32 v23, $3.100000000e+01;
	v30 =	vadd.f32 $1.599989990e+01, v22;
	v22 =	vmul.f32 $5.000000000e+00, v14  }
0xf0: {  	v23 =	vtrunc.f32 v23;
	vm0 =	vge.f32 v37, v38;
	v26 =	vadd.f32 $1.599989990e+01, v26  }
0xf1: {  	v27 =	vmul.f32 $5.000000000e+00, v11;
	v32 =	vmul.f32 $5.000000000e+00, v18;
	v31 =	vadd.f32 $1.599989990e+01, v22  }
0xf2: {  	v28 =	vld.idx.msk [tilespmem:v12+s19+$0x0], $0xffff;
	v22 =	vcvt.f32.s32 v23;
	v23 =	vmax.f32 v24, $0.0e+00;
	v24 =	vmax.f32 v25, $0.0e+00  }
0xf3: {  	v30 =	vmax.f32 v30, $0.0e+00;
	v34 =	vmax.f32 v26, $0.0e+00;
	v25 =	vld.idx.msk [tilespmem:v13+s19+$0x0], $0xffff;
	v33 =	vadd.f32 $1.599989990e+01, v27  }
0xf4: {  	v26 =	vld.idx.msk [tilespmem:v10+s19+$0x0], $0xffff;
	v32 =	vadd.f32 $1.599989990e+01, v32;
	v35 =	vmin.f32 v23, $3.100000000e+01;
	v39 =	vmin.f32 v24, $3.100000000e+01  }
0xf5: {  	v27 =	vld.idx.msk [tilespmem:v16+s19+$0x0], $0xffff;
	v30 =	vmin.f32 v30, $3.100000000e+01;
	v40 =	vmin.f32 v34, $3.100000000e+01;
	v31 =	vmax.f32 v31, $0.0e+00  }
0xf6: {  	v23 =	vld.idx.msk [tilespmem:v9+s19+$0x0], $0xffff;
	v35 =	vtrunc.f32 v35;
	v33 =	vmax.f32 v33, $0.0e+00;
	v32 =	vmax.f32 v32, $0.0e+00  }
0xf7: {  	v24 =	vld.idx.msk [tilespmem:v8+s19+$0x0], $0xffff;
	v36 =	vmin.f32 v31, $3.100000000e+01;
	v31 =	vtrunc.f32 v39;
	v34 =	vmin.f32 v33, $3.100000000e+01  }
0xf8: {  	[tilespmem:s30+$0x8070] =	vst v29;
	v33 =	vmin.f32 v32, $3.100000000e+01;
	v32 =	vtrunc.f32 v30;
	v30 =	vtrunc.f32 v40;
	v29 =	vld.idx.msk [tilespmem:v22+s19+$0x0], $0xffff  }
.LBB2_7:
0xf9: {  	s31 =	sadd.s32 $0x80, s31;
	v36 =	vtrunc.f32 v36;
	v34 =	vtrunc.f32 v34;
	s1 =	sadd.s32 $0x400, s1;
	vm1 =	vge.f32 v6, v28;
	v6 =	vmovc v21  }
0xfa: {  	v28 =	vcvt.f32.s32 v35;
	v21 =	vtrunc.f32 v33;
	s3 =	sadd.s32 $0x10, s3;
	vm2 =	vge.f32 v5, v27;
	v5 =	vmovc v19;
	s8 =	sand.u32 $0x2000, s31;
	s10 =	sand.u32 $0x1C00, s1  }
0xfb: {  	v27 =	vcvt.f32.s32 v31;
	v31 =	vcvt.f32.s32 v32;
	vm3 =	vge.f32 v4, v25;
	v4 =	vmovc v17;
	p0 =	slt.u32 s31, $0x3F80;
	s8 =	sor.u32 s8, s10;
	s10 =	sand.u32 $0x380, s3  }
0xfc: {  	v25 =	vcvt.f32.s32 v30;
	vm4 =	vge.f32 v3, v26;
	v3 =	vmovc v14;
	v30 =	vcvt.f32.s32 v36;
	s8 =	sor.u32 s10, s8  }
0xfd: {  	v26 =	vcvt.f32.s32 v34;
	v32 =	vcvt.f32.s32 v21;
	vm5 =	vge.f32 v20, v29;
	v20 =	vld [tilespmem:s8+$0x70]  }
0xfe: {  	vm6 =	vge.f32 v1, v24;
	v1 =	vmovc v18;
	v14 =	vsel vm5, $0x1, v0;
	vm5 =	vge.f32 v2, v23;
	v2 =	vmovc v11;
	v37 =	vld [tilespmem:s8+$0x0]  }
0xff: {  	v18 =	vsel vm1, $0x1, v0;
	v11 =	vadd.s32 v14, v22;
	v14 =	vsel vm0, $0x1, v0;
	v21 =	vld [tilespmem:s8+$0x10]  }
0x100: {  	v23 =	vsel vm4, $0x1, v0;
	v22 =	vsel vm3, $0x1, v0;
	v19 =	vld [tilespmem:s8+$0x20];
	[tilespmem:s0+$0x8070] =	vst v11;
	v11 =	vsel vm2, $0x1, v0  }
0x101: {  	v33 =	vsel vm6, $0x1, v0;
	v29 =	vsel vm5, $0x1, v0;
	v24 =	vadd.s32 v14, v15;
	v15 =	vmovc v28;
	v17 =	vld [tilespmem:s8+$0x30]  }
0x102: {  	v18 =	vadd.s32 v18, v12;
	v12 =	vmovc v27;
	v14 =	vld [tilespmem:s8+$0x40];
	v34 =	vmul.f32 $5.000000000e+00, v20;
	[tilespmem:s30+$0x8000] =	vst v24;
	v24 =	vadd.s32 v11, v16  }
0x103: {  	v23 =	vadd.s32 v23, v10;
	v22 =	vadd.s32 v22, v13;
	v16 =	vmovc v31;
	v35 =	vmul.f32 $5.000000000e+00, v37;
	v11 =	vld [tilespmem:s8+$0x50];
	[tilespmem:s30+$0x8010] =	vst v18  }
0x104: {  	v10 =	vmovc v30;
	v13 =	vmovc v25;
	v36 =	vmul.f32 $5.000000000e+00, v21;
	v18 =	vld [tilespmem:s8+$0x60];
	v34 =	vadd.f32 $1.599989990e+01, v34;
	[tilespmem:s30+$0x8020] =	vst v24;
	v24 =	vadd.s32 v29, v9  }
0x105: {  	v9 =	vmovc v26;
	v29 =	vadd.f32 $1.599989990e+01, v35;
	v30 =	vmul.f32 $5.000000000e+00, v19;
	v38 =	vld.idx.msk [tilespmem:v28+s19+$0x0], $0xffff;
	[tilespmem:s30+$0x8030] =	vst v22;
	v22 =	vadd.s32 v33, v8  }
0x106: {  	v8 =	vmovc v32;
	v33 =	vadd.f32 $1.599989990e+01, v36;
	v26 =	vmul.f32 $5.000000000e+00, v17;
	v34 =	vmax.f32 v34, $0.0e+00;
	v28 =	vld.idx.msk [tilespmem:v27+s19+$0x0], $0xffff;
	[tilespmem:s30+$0x8040] =	vst v23  }
0x107: {  	v30 =	vadd.f32 $1.599989990e+01, v30;
	v23 =	vmul.f32 $5.000000000e+00, v14;
	v32 =	vmin.f32 v34, $3.100000000e+01;
	v27 =	vld.idx.msk [tilespmem:v31+s19+$0x0], $0xffff;
	[tilespmem:s30+$0x8050] =	vst v24  }
0x108: {  	v24 =	vadd.f32 $1.599989990e+01, v26;
	v31 =	vmul.f32 $5.000000000e+00, v11;
	v26 =	vtrunc.f32 v32;
	v25 =	vld.idx.msk [tilespmem:v25+s19+$0x0], $0xffff;
	[tilespmem:s30+$0x8060] =	vst v22;
	s30 =	smov.u32 s0;
	s0 =	smov.u32 s8  }
0x109: {  	v32 =	vadd.f32 $1.599989990e+01, v23;
	v34 =	vmul.f32 $5.000000000e+00, v18;
	v22 =	vcvt.f32.s32 v26;
	v26 =	vld.idx.msk [tilespmem:v10+s19+$0x0], $0xffff  }
0x10a: {  	v29 =	vmax.f32 v29, $0.0e+00;
	v33 =	vmax.f32 v33, $0.0e+00;
	v31 =	vadd.f32 $1.599989990e+01, v31;
	v23 =	vld.idx.msk [tilespmem:v9+s19+$0x0], $0xffff  }
0x10b: {  	v30 =	vmax.f32 v30, $0.0e+00;
	v35 =	vmax.f32 v24, $0.0e+00;
	v34 =	vadd.f32 $1.599989990e+01, v34;
	v24 =	vld.idx.msk [tilespmem:v8+s19+$0x0], $0xffff  }
.Ltmp2:
0x10c: {  	v29 =	vmin.f32 v29, $3.100000000e+01;
	v32 =	vmax.f32 v32, $0.0e+00;
	v31 =	vmax.f32 v31, $0.0e+00;
	(pc) =	sbr.rel @p0 .LBB2_7-.Ltmp2, $4  }
0x10d: {  	v33 =	vmin.f32 v33, $3.100000000e+01;
	v30 =	vmin.f32 v30, $3.100000000e+01;
	v39 =	vmax.f32 v34, $0.0e+00  }
0x10e: {  	v40 =	vmin.f32 v35, $3.100000000e+01;
	v36 =	vmin.f32 v32, $3.100000000e+01;
	v34 =	vmin.f32 v31, $3.100000000e+01  }
0x10f: {  	v35 =	vtrunc.f32 v29;
	v31 =	vtrunc.f32 v33;
	v33 =	vmin.f32 v39, $3.100000000e+01;
	v29 =	vld.idx.msk [tilespmem:v22+s19+$0x0], $0xffff  }
0x110: {  	vm0 =	vge.f32 v7, v38;
	v7 =	vmovc v37;
	v32 =	vtrunc.f32 v30;
	v30 =	vtrunc.f32 v40  }
0x111: {  	v35 =	vcvt.f32.s32 v35  }
0x112: {  	v36 =	vtrunc.f32 v36;
	v31 =	vcvt.f32.s32 v31  }
0x113: {  	v34 =	vtrunc.f32 v34;
	vm1 =	vge.f32 v6, v28;
	v6 =	vcvt.f32.s32 v32  }
0x114: {  	v28 =	vtrunc.f32 v33;
	v30 =	vcvt.f32.s32 v30;
	vm2 =	vge.f32 v20, v29  }
0x115: {  	vm3 =	vge.f32 v5, v27;
	v5 =	vcvt.f32.s32 v36;
	v20 =	vsel vm2, $0x1, v0  }
0x116: {  	v27 =	vcvt.f32.s32 v34;
	v20 =	vadd.s32 v20, v22;
	v22 =	vsel vm0, $0x1, v0  }
0x117: {  	v28 =	vcvt.f32.s32 v28;
	v29 =	vsel vm1, $0x1, v0;
	[tilespmem:s0+$0x8070] =	vst v20;
	v15 =	vadd.s32 v22, v15;
	v20 =	vld.idx.msk [tilespmem:v35+s19+$0x0], $0xffff  }
0x118: {  	v12 =	vadd.s32 v29, v12;
	vm0 =	vge.f32 v4, v25;
	v4 =	vsel vm3, $0x1, v0;
	[tilespmem:s30+$0x8000] =	vst v15;
	v15 =	vld.idx.msk [tilespmem:v31+s19+$0x0], $0xffff  }
0x119: {  	vm1 =	vge.f32 v3, v26;
	[tilespmem:s30+$0x8010] =	vst v12;
	v3 =	vsel vm0, $0x1, v0;
	v4 =	vadd.s32 v4, v16;
	v12 =	vld.idx.msk [tilespmem:v6+s19+$0x0], $0xffff  }
0x11a: {  	vm0 =	vge.f32 v2, v23;
	v2 =	vsel vm1, $0x1, v0;
	v3 =	vadd.s32 v3, v13;
	[tilespmem:s30+$0x8020] =	vst v4;
	v4 =	vld.idx.msk [tilespmem:v30+s19+$0x0], $0xffff  }
0x11b: {  	vm1 =	vge.f32 v1, v24;
	v1 =	vsel vm0, $0x1, v0;
	v2 =	vadd.s32 v2, v10;
	[tilespmem:s30+$0x8030] =	vst v3;
	v3 =	vld.idx.msk [tilespmem:v5+s19+$0x0], $0xffff  }
0x11c: {  	v10 =	vsel vm1, $0x1, v0;
	v1 =	vadd.s32 v1, v9;
	[tilespmem:s30+$0x8040] =	vst v2;
	v2 =	vld.idx.msk [tilespmem:v27+s19+$0x0], $0xffff;
	vm0 =	vge.f32 v7, v20  }
0x11d: {  	[tilespmem:s30+$0x8050] =	vst v1;
	v1 =	vld.idx.msk [tilespmem:v28+s19+$0x0], $0xffff;
	v7 =	vadd.s32 v10, v8;
	vm1 =	vge.f32 v21, v15;
	v8 =	vsel vm0, $0x1, v0  }
0x11e: {  	[tilespmem:s30+$0x8060] =	vst v7;
	vm0 =	vge.f32 v19, v12;
	v7 =	vsel vm1, $0x1, v0;
	v8 =	vadd.s32 v8, v35  }
0x11f: {  	vm1 =	vge.f32 v17, v4;
	v4 =	vsel vm0, $0x1, v0;
	[tilespmem:s0+$0x8000] =	vst v8;
	v7 =	vadd.s32 v7, v31  }
0x120: {  	vm0 =	vge.f32 v14, v3;
	v3 =	vsel vm1, $0x1, v0;
	v4 =	vadd.s32 v4, v6;
	[tilespmem:s0+$0x8010] =	vst v7  }
0x121: {  	vm1 =	vge.f32 v11, v2;
	v2 =	vsel vm0, $0x1, v0;
	v3 =	vadd.s32 v3, v30;
	[tilespmem:s0+$0x8020] =	vst v4  }
0x122: {  	vm0 =	vge.f32 v18, v1;
	v1 =	vsel vm1, $0x1, v0;
	v2 =	vadd.s32 v2, v5;
	[tilespmem:s0+$0x8030] =	vst v3  }
0x123: {  	s30 =	sshll.u32 s29, $0x5;
	v3 =	vsel vm0, $0x1, v0;
	v1 =	vadd.s32 v1, v27;
	[tilespmem:s0+$0x8040] =	vst v2  }
0x124: {  	s1 =	sshll.u32 s29, $0xC;
	s8 =	sadd.s32 s30, s13;
	v2 =	vadd.s32 v3, v28;
	[tilespmem:s0+$0x8050] =	vst v1  }
0x125: {  	s11 =	simm.s32 $0x0;
	s10 =	sadd.s32 s1, s9;
	[tilespmem:s0+$0x8060] =	vst v2;
	s0 =	sshll.u32 s8, $0x7  }
0x126: {  	[hbm4b:s10+s11] =	stream.linear.scatter [tilespmem:s22], [sflag:$0x3], $0x4000, $0x38;
	[tilespmem:$0x10080] =	vst v63  }
0x127: {  	s0 =	sadd.s32 s2, s0  }
0x128: {  	[tilespmem:s11], [sflag:$0x1] =	stream.linear.gather [hbm4b:s0+s11], $0x4000, $0x38;
	[tilespmem:$0x10080] =	vst v63  }
0x129: {  	_ =	swait.ge [sflag:s23], $0x4000  }
0x12a: {  	[sflag:s23] =	ssyncset.done $0x0  }
0x12b: {  	s10 =	simm.s32 $0x0;
	[sflag:s23] =	ssyncadd.s32 $0xFFFFC000  }
0x12c: {  	s3 =	sand.u32 $0x1C00, s11;
	s0 =	sand.u32 $0x2000, s10;
	_ =	swait.ge [sflag:s26], $0x4000  }
0x12d: {  	s1 =	sand.u32 $0x380, s11;
	s0 =	sor.u32 s0, s3;
	[sflag:s26] =	ssyncset.done $0x0  }
0x12e: {  	s31 =	sor.u32 s1, s0;
	[sflag:s26] =	ssyncadd.s32 $0xFFFFC000  }
0x12f: {  	v11 =	vld [tilespmem:s31+$0x4070]  }
0x130: {  	v37 =	vld [tilespmem:s31+$0x4000]  }
0x131: {  	v6 =	vld [tilespmem:s31+$0x4010]  }
0x132: {  	v5 =	vld [tilespmem:s31+$0x4020]  }
0x133: {  	v4 =	vld [tilespmem:s31+$0x4030]  }
0x134: {  	v3 =	vld [tilespmem:s31+$0x4040]  }
0x135: {  	v2 =	vld [tilespmem:s31+$0x4050];
	_ =	sdelay $0x1  }
0x136: {  	v1 =	vmul.f32 $5.000000000e+00, v11  }
0x137: {  	v7 =	vmul.f32 $5.000000000e+00, v37;
	v9 =	vmul.f32 $5.000000000e+00, v6  }
0x138: {  	v10 =	vmul.f32 $5.000000000e+00, v5;
	v12 =	vmul.f32 $5.000000000e+00, v4;
	v8 =	vadd.f32 $1.599989990e+01, v1  }
0x139: {  	v13 =	vmul.f32 $5.000000000e+00, v3;
	v14 =	vmul.f32 $5.000000000e+00, v2  }
0x13a: {  	v7 =	vadd.f32 $1.599989990e+01, v7;
	v9 =	vadd.f32 $1.599989990e+01, v9;
	v8 =	vmax.f32 v8, $0.0e+00  }
0x13b: {  	v1 =	vld [tilespmem:s31+$0x4060];
	v10 =	vadd.f32 $1.599989990e+01, v10;
	v12 =	vadd.f32 $1.599989990e+01, v12;
	v8 =	vmin.f32 v8, $3.100000000e+01  }
0x13c: {  	s3 =	simm.s32 $0x400;
	s1 =	simm.s32 $0x80;
	v14 =	vadd.f32 $1.599989990e+01, v14;
	v7 =	vmax.f32 v7, $0.0e+00;
	v8 =	vtrunc.f32 v8  }
0x13d: {  	s8 =	simm.s32 $0x10;
	s10 =	sand.u32 $0x1C00, s3;
	s11 =	sand.u32 $0x2000, s1;
	v9 =	vmax.f32 v9, $0.0e+00;
	v10 =	vmax.f32 v10, $0.0e+00;
	v22 =	vcvt.f32.s32 v8  }
0x13e: {  	s0 =	sor.u32 s11, s10;
	s11 =	sand.u32 $0x380, s8;
	v12 =	vmax.f32 v12, $0.0e+00;
	v14 =	vmax.f32 v14, $0.0e+00;
	v7 =	vmin.f32 v7, $3.100000000e+01  }
0x13f: {  	s0 =	sor.u32 s11, s0;
	v9 =	vmin.f32 v9, $3.100000000e+01;
	v10 =	vmin.f32 v10, $3.100000000e+01;
	v12 =	vmin.f32 v12, $3.100000000e+01  }
0x140: {  	v20 =	vld [tilespmem:s0+$0x4070];
	v15 =	vtrunc.f32 v7;
	v8 =	vadd.f32 $1.599989990e+01, v13;
	v13 =	vmul.f32 $5.000000000e+00, v1  }
0x141: {  	v21 =	vld [tilespmem:s0+$0x4010];
	v9 =	vtrunc.f32 v9;
	v7 =	vmin.f32 v14, $3.100000000e+01;
	v15 =	vcvt.f32.s32 v15  }
0x142: {  	v23 =	vtrunc.f32 v7;
	v7 =	vld [tilespmem:s0+$0x4000];
	v13 =	vadd.f32 $1.599989990e+01, v13;
	v8 =	vmax.f32 v8, $0.0e+00  }
0x143: {  	v10 =	vtrunc.f32 v10;
	v14 =	vtrunc.f32 v12;
	v8 =	vmin.f32 v8, $3.100000000e+01;
	v18 =	vld.idx.msk [tilespmem:v22+s19+$0x0], $0xffff  }
0x144: {  	v19 =	vld [tilespmem:s0+$0x4020];
	v16 =	vcvt.f32.s32 v10;
	v13 =	vmax.f32 v13, $0.0e+00;
	v8 =	vtrunc.f32 v8  }
0x145: {  	v17 =	vld [tilespmem:s0+$0x4030];
	v12 =	vmin.f32 v13, $3.100000000e+01;
	v13 =	vcvt.f32.s32 v14;
	v10 =	vcvt.f32.s32 v8  }
0x146: {  	v14 =	vld [tilespmem:s0+$0x4040];
	v24 =	vtrunc.f32 v12;
	v12 =	vcvt.f32.s32 v9  }
0x147: {  	v9 =	vcvt.f32.s32 v23;
	v23 =	vmul.f32 $5.000000000e+00, v20;
	v38 =	vld.idx.msk [tilespmem:v15+s19+$0x0], $0xffff  }
0x148: {  	v8 =	vcvt.f32.s32 v24;
	v24 =	vmul.f32 $5.000000000e+00, v7;
	vm0 =	vge.f32 v11, v18;
	v11 =	vld [tilespmem:s0+$0x4050]  }
0x149: {  	v26 =	vmul.f32 $5.000000000e+00, v21;
	v23 =	vadd.f32 $1.599989990e+01, v23;
	v18 =	vld [tilespmem:s0+$0x4060];
	v25 =	vsel vm0, $0x1, v0  }
0x14a: {  	v24 =	vadd.f32 $1.599989990e+01, v24;
	v29 =	vadd.s32 v25, v22;
	v22 =	vmul.f32 $5.000000000e+00, v19  }
0x14b: {  	v23 =	vmax.f32 v23, $0.0e+00;
	v25 =	vadd.f32 $1.599989990e+01, v26;
	v26 =	vmul.f32 $5.000000000e+00, v17  }
0x14c: {  	v23 =	vmin.f32 v23, $3.100000000e+01;
	v30 =	vadd.f32 $1.599989990e+01, v22;
	v22 =	vmul.f32 $5.000000000e+00, v14  }
0x14d: {  	v23 =	vtrunc.f32 v23;
	vm0 =	vge.f32 v37, v38;
	v26 =	vadd.f32 $1.599989990e+01, v26  }
0x14e: {  	v27 =	vmul.f32 $5.000000000e+00, v11;
	v60 =	vmul.f32 $5.000000000e+00, v18;
	v31 =	vadd.f32 $1.599989990e+01, v22  }
0x14f: {  	v28 =	vld.idx.msk [tilespmem:v12+s19+$0x0], $0xffff;
	v22 =	vcvt.f32.s32 v23;
	v23 =	vmax.f32 v24, $0.0e+00;
	v24 =	vmax.f32 v25, $0.0e+00  }
0x150: {  	v30 =	vmax.f32 v30, $0.0e+00;
	v62 =	vmax.f32 v26, $0.0e+00;
	v25 =	vld.idx.msk [tilespmem:v13+s19+$0x0], $0xffff;
	v61 =	vadd.f32 $1.599989990e+01, v27  }
0x151: {  	v26 =	vld.idx.msk [tilespmem:v10+s19+$0x0], $0xffff;
	v32 =	vadd.f32 $1.599989990e+01, v60;
	v63 =	vmin.f32 v23, $3.100000000e+01;
	v39 =	vmin.f32 v24, $3.100000000e+01  }
0x152: {  	v27 =	vld.idx.msk [tilespmem:v16+s19+$0x0], $0xffff;
	v30 =	vmin.f32 v30, $3.100000000e+01;
	v40 =	vmin.f32 v62, $3.100000000e+01;
	v31 =	vmax.f32 v31, $0.0e+00  }
0x153: {  	v23 =	vld.idx.msk [tilespmem:v9+s19+$0x0], $0xffff;
	v35 =	vtrunc.f32 v63;
	v33 =	vmax.f32 v61, $0.0e+00;
	v32 =	vmax.f32 v32, $0.0e+00  }
0x154: {  	v24 =	vld.idx.msk [tilespmem:v8+s19+$0x0], $0xffff;
	v36 =	vmin.f32 v31, $3.100000000e+01;
	v31 =	vtrunc.f32 v39;
	v34 =	vmin.f32 v33, $3.100000000e+01  }
0x155: {  	[tilespmem:s31+$0xC070] =	vst v29;
	v33 =	vmin.f32 v32, $3.100000000e+01;
	v32 =	vtrunc.f32 v30;
	v30 =	vtrunc.f32 v40;
	v29 =	vld.idx.msk [tilespmem:v22+s19+$0x0], $0xffff  }
.LBB2_9:
0x156: {  	s1 =	sadd.s32 $0x80, s1;
	v36 =	vtrunc.f32 v36;
	v34 =	vtrunc.f32 v34;
	s3 =	sadd.s32 $0x400, s3;
	vm1 =	vge.f32 v6, v28;
	v6 =	vmovc v21  }
0x157: {  	v28 =	vcvt.f32.s32 v35;
	v21 =	vtrunc.f32 v33;
	s8 =	sadd.s32 $0x10, s8;
	vm2 =	vge.f32 v5, v27;
	v5 =	vmovc v19;
	s10 =	sand.u32 $0x2000, s1;
	s11 =	sand.u32 $0x1C00, s3  }
0x158: {  	v27 =	vcvt.f32.s32 v31;
	v31 =	vcvt.f32.s32 v32;
	vm3 =	vge.f32 v4, v25;
	v4 =	vmovc v17;
	p0 =	slt.u32 s1, $0x3F80;
	s10 =	sor.u32 s10, s11;
	s11 =	sand.u32 $0x380, s8  }
0x159: {  	v25 =	vcvt.f32.s32 v30;
	vm4 =	vge.f32 v3, v26;
	v3 =	vmovc v14;
	v30 =	vcvt.f32.s32 v36;
	s10 =	sor.u32 s11, s10  }
0x15a: {  	v26 =	vcvt.f32.s32 v34;
	v32 =	vcvt.f32.s32 v21;
	vm5 =	vge.f32 v20, v29;
	v20 =	vld [tilespmem:s10+$0x4070]  }
0x15b: {  	vm6 =	vge.f32 v1, v24;
	v1 =	vmovc v18;
	v14 =	vsel vm5, $0x1, v0;
	vm5 =	vge.f32 v2, v23;
	v2 =	vmovc v11;
	v37 =	vld [tilespmem:s10+$0x4000]  }
0x15c: {  	v18 =	vsel vm1, $0x1, v0;
	v11 =	vadd.s32 v14, v22;
	v14 =	vsel vm0, $0x1, v0;
	v21 =	vld [tilespmem:s10+$0x4010]  }
0x15d: {  	v23 =	vsel vm4, $0x1, v0;
	v22 =	vsel vm3, $0x1, v0;
	v19 =	vld [tilespmem:s10+$0x4020];
	[tilespmem:s0+$0xC070] =	vst v11;
	v11 =	vsel vm2, $0x1, v0  }
0x15e: {  	v33 =	vsel vm6, $0x1, v0;
	v29 =	vsel vm5, $0x1, v0;
	v24 =	vadd.s32 v14, v15;
	v15 =	vmovc v28;
	v17 =	vld [tilespmem:s10+$0x4030]  }
0x15f: {  	v18 =	vadd.s32 v18, v12;
	v12 =	vmovc v27;
	v14 =	vld [tilespmem:s10+$0x4040];
	v34 =	vmul.f32 $5.000000000e+00, v20;
	[tilespmem:s31+$0xC000] =	vst v24;
	v24 =	vadd.s32 v11, v16  }
0x160: {  	v23 =	vadd.s32 v23, v10;
	v22 =	vadd.s32 v22, v13;
	v16 =	vmovc v31;
	v35 =	vmul.f32 $5.000000000e+00, v37;
	v11 =	vld [tilespmem:s10+$0x4050];
	[tilespmem:s31+$0xC010] =	vst v18  }
0x161: {  	v10 =	vmovc v30;
	v13 =	vmovc v25;
	v36 =	vmul.f32 $5.000000000e+00, v21;
	v18 =	vld [tilespmem:s10+$0x4060];
	v34 =	vadd.f32 $1.599989990e+01, v34;
	[tilespmem:s31+$0xC020] =	vst v24;
	v24 =	vadd.s32 v29, v9  }
0x162: {  	v9 =	vmovc v26;
	v29 =	vadd.f32 $1.599989990e+01, v35;
	v30 =	vmul.f32 $5.000000000e+00, v19;
	v38 =	vld.idx.msk [tilespmem:v28+s19+$0x0], $0xffff;
	[tilespmem:s31+$0xC030] =	vst v22;
	v22 =	vadd.s32 v33, v8  }
0x163: {  	v8 =	vmovc v32;
	v33 =	vadd.f32 $1.599989990e+01, v36;
	v26 =	vmul.f32 $5.000000000e+00, v17;
	v34 =	vmax.f32 v34, $0.0e+00;
	v28 =	vld.idx.msk [tilespmem:v27+s19+$0x0], $0xffff;
	[tilespmem:s31+$0xC040] =	vst v23  }
0x164: {  	v30 =	vadd.f32 $1.599989990e+01, v30;
	v23 =	vmul.f32 $5.000000000e+00, v14;
	v32 =	vmin.f32 v34, $3.100000000e+01;
	v27 =	vld.idx.msk [tilespmem:v31+s19+$0x0], $0xffff;
	[tilespmem:s31+$0xC050] =	vst v24  }
0x165: {  	v24 =	vadd.f32 $1.599989990e+01, v26;
	v31 =	vmul.f32 $5.000000000e+00, v11;
	v26 =	vtrunc.f32 v32;
	v25 =	vld.idx.msk [tilespmem:v25+s19+$0x0], $0xffff;
	[tilespmem:s31+$0xC060] =	vst v22;
	s31 =	smov.u32 s0;
	s0 =	smov.u32 s10  }
0x166: {  	v32 =	vadd.f32 $1.599989990e+01, v23;
	v34 =	vmul.f32 $5.000000000e+00, v18;
	v22 =	vcvt.f32.s32 v26;
	v26 =	vld.idx.msk [tilespmem:v10+s19+$0x0], $0xffff  }
0x167: {  	v29 =	vmax.f32 v29, $0.0e+00;
	v33 =	vmax.f32 v33, $0.0e+00;
	v31 =	vadd.f32 $1.599989990e+01, v31;
	v23 =	vld.idx.msk [tilespmem:v9+s19+$0x0], $0xffff  }
0x168: {  	v30 =	vmax.f32 v30, $0.0e+00;
	v35 =	vmax.f32 v24, $0.0e+00;
	v34 =	vadd.f32 $1.599989990e+01, v34;
	v24 =	vld.idx.msk [tilespmem:v8+s19+$0x0], $0xffff  }
.Ltmp3:
0x169: {  	v29 =	vmin.f32 v29, $3.100000000e+01;
	v32 =	vmax.f32 v32, $0.0e+00;
	v31 =	vmax.f32 v31, $0.0e+00;
	(pc) =	sbr.rel @p0 .LBB2_9-.Ltmp3, $4  }
0x16a: {  	v33 =	vmin.f32 v33, $3.100000000e+01;
	v30 =	vmin.f32 v30, $3.100000000e+01;
	v39 =	vmax.f32 v34, $0.0e+00  }
0x16b: {  	v40 =	vmin.f32 v35, $3.100000000e+01;
	v36 =	vmin.f32 v32, $3.100000000e+01;
	v34 =	vmin.f32 v31, $3.100000000e+01  }
0x16c: {  	v35 =	vtrunc.f32 v29;
	v31 =	vtrunc.f32 v33;
	v33 =	vmin.f32 v39, $3.100000000e+01;
	v29 =	vld.idx.msk [tilespmem:v22+s19+$0x0], $0xffff  }
0x16d: {  	vm0 =	vge.f32 v7, v38;
	v7 =	vmovc v37;
	v32 =	vtrunc.f32 v30;
	v30 =	vtrunc.f32 v40  }
0x16e: {  	v35 =	vcvt.f32.s32 v35  }
0x16f: {  	v36 =	vtrunc.f32 v36;
	v31 =	vcvt.f32.s32 v31  }
0x170: {  	v34 =	vtrunc.f32 v34;
	vm1 =	vge.f32 v6, v28;
	v48 =	vcvt.f32.s32 v32  }
0x171: {  	v49 =	vtrunc.f32 v33;
	v30 =	vcvt.f32.s32 v30;
	vm3 =	vge.f32 v5, v27  }
0x172: {  	v52 =	vsel vm0, $0x1, v0;
	vm5 =	vge.f32 v4, v25;
	v50 =	vcvt.f32.s32 v36  }
0x173: {  	v51 =	vcvt.f32.s32 v34;
	v53 =	vsel vm1, $0x1, v0;
	v15 =	vadd.s32 v52, v15  }
0x174: {  	v28 =	vcvt.f32.s32 v49;
	v55 =	vsel vm3, $0x1, v0;
	[tilespmem:s31+$0xC000] =	vst v15;
	v12 =	vadd.s32 v53, v12;
	v54 =	vld.idx.msk [tilespmem:v35+s19+$0x0], $0xffff  }
0x175: {  	vm6 =	vge.f32 v3, v26;
	v3 =	vsel vm5, $0x1, v0;
	v4 =	vadd.s32 v55, v16;
	[tilespmem:s31+$0xC010] =	vst v12;
	v56 =	vld.idx.msk [tilespmem:v31+s19+$0x0], $0xffff  }
0x176: {  	vm7 =	vge.f32 v2, v23;
	v2 =	vsel vm6, $0x1, v0;
	v3 =	vadd.s32 v3, v13;
	[tilespmem:s31+$0xC020] =	vst v4;
	v57 =	vld.idx.msk [tilespmem:v48+s19+$0x0], $0xffff  }
0x177: {  	vm8 =	vge.f32 v1, v24;
	v1 =	vsel vm7, $0x1, v0;
	v2 =	vadd.s32 v2, v10;
	[tilespmem:s31+$0xC030] =	vst v3;
	v58 =	vld.idx.msk [tilespmem:v30+s19+$0x0], $0xffff  }
0x178: {  	v59 =	vsel vm8, $0x1, v0;
	v1 =	vadd.s32 v1, v9;
	vm2 =	vge.f32 v20, v29;
	[tilespmem:s31+$0xC040] =	vst v2;
	v3 =	vld.idx.msk [tilespmem:v50+s19+$0x0], $0xffff  }
0x179: {  	v60 =	vadd.s32 v59, v8;
	[tilespmem:s31+$0xC050] =	vst v1;
	v20 =	vsel vm2, $0x1, v0;
	v2 =	vld.idx.msk [tilespmem:v51+s19+$0x0], $0xffff;
	vm9 =	vge.f32 v7, v54  }
0x17a: {  	[tilespmem:s31+$0xC060] =	vst v60;
	v20 =	vadd.s32 v20, v22;
	v1 =	vld.idx.msk [tilespmem:v28+s19+$0x0], $0xffff;
	vm10 =	vge.f32 v21, v56;
	v61 =	vsel vm9, $0x1, v0  }
0x17b: {  	[tilespmem:s0+$0xC070] =	vst v20;
	vm11 =	vge.f32 v19, v57;
	v62 =	vsel vm10, $0x1, v0;
	v8 =	vadd.s32 v61, v35  }
0x17c: {  	vm12 =	vge.f32 v17, v58;
	v63 =	vsel vm11, $0x1, v0;
	v7 =	vadd.s32 v62, v31;
	[tilespmem:s0+$0xC000] =	vst v8  }
0x17d: {  	vm13 =	vge.f32 v14, v3;
	v3 =	vsel vm12, $0x1, v0;
	v4 =	vadd.s32 v63, v48;
	[tilespmem:s0+$0xC010] =	vst v7  }
0x17e: {  	vm14 =	vge.f32 v11, v2;
	v2 =	vsel vm13, $0x1, v0;
	v3 =	vadd.s32 v3, v30;
	[tilespmem:s0+$0xC020] =	vst v4  }
0x17f: {  	s1 =	sadd.s32 s30, s6;
	s29 =	sadd.s32 $0x1, s29;
	vm15 =	vge.f32 v18, v1;
	v1 =	vsel vm14, $0x1, v0;
	v2 =	vadd.s32 v2, v50;
	[tilespmem:s0+$0xC030] =	vst v3  }
0x180: {  	s1 =	sshll.u32 s1, $0x7;
	p0 =	sne.s32 s29, $0xF;
	v3 =	vsel vm15, $0x1, v0;
	v1 =	vadd.s32 v1, v51;
	[tilespmem:s0+$0xC040] =	vst v2  }
.Ltmp4:
0x181: {  	s1 =	sadd.s32 s4, s1;
	s31 =	sadd.s32 s30, s14;
	v2 =	vadd.s32 v3, v28;
	[tilespmem:s0+$0xC050] =	vst v1;
	(pc) =	sbr.rel @p0 .LBB2_6-.Ltmp4, $4  }
0x182: {  	s11 =	sadd.s32 $0x800, s1;
	[tilespmem:s0+$0xC060] =	vst v2;
	s0 =	sshll.u32 s31, $0x7  }
0x183: {  	[hbm4b:s11+s5] =	stream.linear.scatter [tilespmem:s24], [sflag:$0x4], $0x4000, $0x38;
	[tilespmem:$0x10080] =	vst v63  }
0x184: {  	s0 =	sadd.s32 s2, s0  }
0x185: {  	[tilespmem:s18], [sflag:$0x2] =	stream.linear.gather [hbm4b:s0+s5], $0x4000, $0x38;
	[tilespmem:$0x10080] =	vst v63  }
0x186: {  	_ =	swait.ge [sflag:s21], $0x4000  }
0x187: {  	[sflag:s21] =	ssyncset.done $0x0  }
0x188: {  	s0 =	simm.s32 $0x0;
	s1 =	simm.s32 $0x0;
	[sflag:s21] =	ssyncadd.s32 $0xFFFFC000  }
0x189: {  	s1 =	sand.u32 $0x2000, s1;
	s3 =	sand.u32 $0x1C00, s0;
	_ =	swait.ge [sflag:s25], $0x4000  }
0x18a: {  	s0 =	sand.u32 $0x380, s0;
	s1 =	sor.u32 s1, s3;
	[sflag:s25] =	ssyncset.done $0x0  }
0x18b: {  	s29 =	sor.u32 s0, s1;
	[sflag:s25] =	ssyncadd.s32 $0xFFFFC000  }
0x18c: {  	v11 =	vld [tilespmem:s29+$0x70]  }
0x18d: {  	v37 =	vld [tilespmem:s29+$0x0]  }
0x18e: {  	v6 =	vld [tilespmem:s29+$0x10]  }
0x18f: {  	v5 =	vld [tilespmem:s29+$0x20]  }
0x190: {  	v4 =	vld [tilespmem:s29+$0x30]  }
0x191: {  	v3 =	vld [tilespmem:s29+$0x40]  }
0x192: {  	v2 =	vld [tilespmem:s29+$0x50];
	_ =	sdelay $0x1  }
0x193: {  	v1 =	vmul.f32 $5.000000000e+00, v11  }
0x194: {  	v7 =	vmul.f32 $5.000000000e+00, v37;
	v9 =	vmul.f32 $5.000000000e+00, v6  }
0x195: {  	v10 =	vmul.f32 $5.000000000e+00, v5;
	v12 =	vmul.f32 $5.000000000e+00, v4;
	v8 =	vadd.f32 $1.599989990e+01, v1  }
0x196: {  	v13 =	vmul.f32 $5.000000000e+00, v3;
	v14 =	vmul.f32 $5.000000000e+00, v2  }
0x197: {  	v7 =	vadd.f32 $1.599989990e+01, v7;
	v9 =	vadd.f32 $1.599989990e+01, v9;
	v8 =	vmax.f32 v8, $0.0e+00  }
0x198: {  	v1 =	vld [tilespmem:s29+$0x60];
	v10 =	vadd.f32 $1.599989990e+01, v10;
	v12 =	vadd.f32 $1.599989990e+01, v12;
	v8 =	vmin.f32 v8, $3.100000000e+01  }
0x199: {  	s3 =	simm.s32 $0x400;
	s1 =	simm.s32 $0x80;
	v14 =	vadd.f32 $1.599989990e+01, v14;
	v7 =	vmax.f32 v7, $0.0e+00;
	v8 =	vtrunc.f32 v8  }
0x19a: {  	s8 =	simm.s32 $0x10;
	s10 =	sand.u32 $0x1C00, s3;
	s30 =	sand.u32 $0x2000, s1;
	v9 =	vmax.f32 v9, $0.0e+00;
	v10 =	vmax.f32 v10, $0.0e+00;
	v22 =	vcvt.f32.s32 v8  }
0x19b: {  	s31 =	sand.u32 $0x380, s8;
	s0 =	sor.u32 s30, s10;
	v12 =	vmax.f32 v12, $0.0e+00;
	v14 =	vmax.f32 v14, $0.0e+00;
	v7 =	vmin.f32 v7, $3.100000000e+01  }
0x19c: {  	s0 =	sor.u32 s31, s0;
	v9 =	vmin.f32 v9, $3.100000000e+01;
	v10 =	vmin.f32 v10, $3.100000000e+01;
	v12 =	vmin.f32 v12, $3.100000000e+01  }
0x19d: {  	v20 =	vld [tilespmem:s0+$0x70];
	v15 =	vtrunc.f32 v7;
	v8 =	vadd.f32 $1.599989990e+01, v13;
	v13 =	vmul.f32 $5.000000000e+00, v1  }
0x19e: {  	v21 =	vld [tilespmem:s0+$0x10];
	v9 =	vtrunc.f32 v9;
	v7 =	vmin.f32 v14, $3.100000000e+01;
	v15 =	vcvt.f32.s32 v15  }
0x19f: {  	v23 =	vtrunc.f32 v7;
	v7 =	vld [tilespmem:s0+$0x0];
	v13 =	vadd.f32 $1.599989990e+01, v13;
	v8 =	vmax.f32 v8, $0.0e+00  }
0x1a0: {  	v10 =	vtrunc.f32 v10;
	v14 =	vtrunc.f32 v12;
	v8 =	vmin.f32 v8, $3.100000000e+01;
	v18 =	vld.idx.msk [tilespmem:v22+s19+$0x0], $0xffff  }
0x1a1: {  	v19 =	vld [tilespmem:s0+$0x20];
	v16 =	vcvt.f32.s32 v10;
	v13 =	vmax.f32 v13, $0.0e+00;
	v8 =	vtrunc.f32 v8  }
0x1a2: {  	v17 =	vld [tilespmem:s0+$0x30];
	v12 =	vmin.f32 v13, $3.100000000e+01;
	v13 =	vcvt.f32.s32 v14;
	v10 =	vcvt.f32.s32 v8  }
0x1a3: {  	v14 =	vld [tilespmem:s0+$0x40];
	v24 =	vtrunc.f32 v12;
	v12 =	vcvt.f32.s32 v9  }
0x1a4: {  	v9 =	vcvt.f32.s32 v23;
	v23 =	vmul.f32 $5.000000000e+00, v20;
	v38 =	vld.idx.msk [tilespmem:v15+s19+$0x0], $0xffff  }
0x1a5: {  	v8 =	vcvt.f32.s32 v24;
	v24 =	vmul.f32 $5.000000000e+00, v7;
	vm0 =	vge.f32 v11, v18;
	v11 =	vld [tilespmem:s0+$0x50]  }
0x1a6: {  	v26 =	vmul.f32 $5.000000000e+00, v21;
	v23 =	vadd.f32 $1.599989990e+01, v23;
	v18 =	vld [tilespmem:s0+$0x60];
	v25 =	vsel vm0, $0x1, v0  }
0x1a7: {  	v24 =	vadd.f32 $1.599989990e+01, v24;
	v29 =	vadd.s32 v25, v22;
	v22 =	vmul.f32 $5.000000000e+00, v19  }
0x1a8: {  	v23 =	vmax.f32 v23, $0.0e+00;
	v25 =	vadd.f32 $1.599989990e+01, v26;
	v26 =	vmul.f32 $5.000000000e+00, v17  }
0x1a9: {  	v23 =	vmin.f32 v23, $3.100000000e+01;
	v30 =	vadd.f32 $1.599989990e+01, v22;
	v22 =	vmul.f32 $5.000000000e+00, v14  }
0x1aa: {  	v23 =	vtrunc.f32 v23;
	vm0 =	vge.f32 v37, v38;
	v26 =	vadd.f32 $1.599989990e+01, v26  }
0x1ab: {  	v27 =	vmul.f32 $5.000000000e+00, v11;
	v32 =	vmul.f32 $5.000000000e+00, v18;
	v31 =	vadd.f32 $1.599989990e+01, v22  }
0x1ac: {  	v28 =	vld.idx.msk [tilespmem:v12+s19+$0x0], $0xffff;
	v22 =	vcvt.f32.s32 v23;
	v23 =	vmax.f32 v24, $0.0e+00;
	v24 =	vmax.f32 v25, $0.0e+00  }
0x1ad: {  	v30 =	vmax.f32 v30, $0.0e+00;
	v34 =	vmax.f32 v26, $0.0e+00;
	v25 =	vld.idx.msk [tilespmem:v13+s19+$0x0], $0xffff;
	v33 =	vadd.f32 $1.599989990e+01, v27  }
0x1ae: {  	v26 =	vld.idx.msk [tilespmem:v10+s19+$0x0], $0xffff;
	v32 =	vadd.f32 $1.599989990e+01, v32;
	v35 =	vmin.f32 v23, $3.100000000e+01;
	v39 =	vmin.f32 v24, $3.100000000e+01  }
0x1af: {  	v27 =	vld.idx.msk [tilespmem:v16+s19+$0x0], $0xffff;
	v30 =	vmin.f32 v30, $3.100000000e+01;
	v40 =	vmin.f32 v34, $3.100000000e+01;
	v31 =	vmax.f32 v31, $0.0e+00  }
0x1b0: {  	v23 =	vld.idx.msk [tilespmem:v9+s19+$0x0], $0xffff;
	v35 =	vtrunc.f32 v35;
	v33 =	vmax.f32 v33, $0.0e+00;
	v32 =	vmax.f32 v32, $0.0e+00  }
0x1b1: {  	v24 =	vld.idx.msk [tilespmem:v8+s19+$0x0], $0xffff;
	v36 =	vmin.f32 v31, $3.100000000e+01;
	v31 =	vtrunc.f32 v39;
	v34 =	vmin.f32 v33, $3.100000000e+01  }
0x1b2: {  	[tilespmem:s29+$0x8070] =	vst v29;
	v33 =	vmin.f32 v32, $3.100000000e+01;
	v32 =	vtrunc.f32 v30;
	v30 =	vtrunc.f32 v40;
	v29 =	vld.idx.msk [tilespmem:v22+s19+$0x0], $0xffff  }
.LBB2_12:
0x1b3: {  	s1 =	sadd.s32 $0x80, s1;
	v36 =	vtrunc.f32 v36;
	v34 =	vtrunc.f32 v34;
	s3 =	sadd.s32 $0x400, s3;
	vm1 =	vge.f32 v6, v28;
	v6 =	vmovc v21  }
0x1b4: {  	v28 =	vcvt.f32.s32 v35;
	v21 =	vtrunc.f32 v33;
	s8 =	sadd.s32 $0x10, s8;
	vm2 =	vge.f32 v5, v27;
	v5 =	vmovc v19;
	s10 =	sand.u32 $0x2000, s1;
	s11 =	sand.u32 $0x1C00, s3  }
0x1b5: {  	v27 =	vcvt.f32.s32 v31;
	v31 =	vcvt.f32.s32 v32;
	vm3 =	vge.f32 v4, v25;
	v4 =	vmovc v17;
	p0 =	slt.u32 s1, $0x3F80;
	s10 =	sor.u32 s10, s11;
	s11 =	sand.u32 $0x380, s8  }
0x1b6: {  	v25 =	vcvt.f32.s32 v30;
	vm4 =	vge.f32 v3, v26;
	v3 =	vmovc v14;
	v30 =	vcvt.f32.s32 v36;
	s10 =	sor.u32 s11, s10  }
0x1b7: {  	v26 =	vcvt.f32.s32 v34;
	v32 =	vcvt.f32.s32 v21;
	vm5 =	vge.f32 v20, v29;
	v20 =	vld [tilespmem:s10+$0x70]  }
0x1b8: {  	vm6 =	vge.f32 v1, v24;
	v1 =	vmovc v18;
	v14 =	vsel vm5, $0x1, v0;
	vm5 =	vge.f32 v2, v23;
	v2 =	vmovc v11;
	v37 =	vld [tilespmem:s10+$0x0]  }
0x1b9: {  	v18 =	vsel vm1, $0x1, v0;
	v11 =	vadd.s32 v14, v22;
	v14 =	vsel vm0, $0x1, v0;
	v21 =	vld [tilespmem:s10+$0x10]  }
0x1ba: {  	v23 =	vsel vm4, $0x1, v0;
	v22 =	vsel vm3, $0x1, v0;
	v19 =	vld [tilespmem:s10+$0x20];
	[tilespmem:s0+$0x8070] =	vst v11;
	v11 =	vsel vm2, $0x1, v0  }
0x1bb: {  	v33 =	vsel vm6, $0x1, v0;
	v29 =	vsel vm5, $0x1, v0;
	v24 =	vadd.s32 v14, v15;
	v15 =	vmovc v28;
	v17 =	vld [tilespmem:s10+$0x30]  }
0x1bc: {  	v18 =	vadd.s32 v18, v12;
	v12 =	vmovc v27;
	v14 =	vld [tilespmem:s10+$0x40];
	v34 =	vmul.f32 $5.000000000e+00, v20;
	[tilespmem:s29+$0x8000] =	vst v24;
	v24 =	vadd.s32 v11, v16  }
0x1bd: {  	v23 =	vadd.s32 v23, v10;
	v22 =	vadd.s32 v22, v13;
	v16 =	vmovc v31;
	v35 =	vmul.f32 $5.000000000e+00, v37;
	v11 =	vld [tilespmem:s10+$0x50];
	[tilespmem:s29+$0x8010] =	vst v18  }
0x1be: {  	v10 =	vmovc v30;
	v13 =	vmovc v25;
	v36 =	vmul.f32 $5.000000000e+00, v21;
	v18 =	vld [tilespmem:s10+$0x60];
	v34 =	vadd.f32 $1.599989990e+01, v34;
	[tilespmem:s29+$0x8020] =	vst v24;
	v24 =	vadd.s32 v29, v9  }
0x1bf: {  	v9 =	vmovc v26;
	v29 =	vadd.f32 $1.599989990e+01, v35;
	v30 =	vmul.f32 $5.000000000e+00, v19;
	v38 =	vld.idx.msk [tilespmem:v28+s19+$0x0], $0xffff;
	[tilespmem:s29+$0x8030] =	vst v22;
	v22 =	vadd.s32 v33, v8  }
0x1c0: {  	v8 =	vmovc v32;
	v33 =	vadd.f32 $1.599989990e+01, v36;
	v26 =	vmul.f32 $5.000000000e+00, v17;
	v34 =	vmax.f32 v34, $0.0e+00;
	v28 =	vld.idx.msk [tilespmem:v27+s19+$0x0], $0xffff;
	[tilespmem:s29+$0x8040] =	vst v23  }
0x1c1: {  	v30 =	vadd.f32 $1.599989990e+01, v30;
	v23 =	vmul.f32 $5.000000000e+00, v14;
	v32 =	vmin.f32 v34, $3.100000000e+01;
	v27 =	vld.idx.msk [tilespmem:v31+s19+$0x0], $0xffff;
	[tilespmem:s29+$0x8050] =	vst v24  }
0x1c2: {  	v24 =	vadd.f32 $1.599989990e+01, v26;
	v31 =	vmul.f32 $5.000000000e+00, v11;
	v26 =	vtrunc.f32 v32;
	v25 =	vld.idx.msk [tilespmem:v25+s19+$0x0], $0xffff;
	[tilespmem:s29+$0x8060] =	vst v22;
	s29 =	smov.u32 s0;
	s0 =	smov.u32 s10  }
0x1c3: {  	v32 =	vadd.f32 $1.599989990e+01, v23;
	v34 =	vmul.f32 $5.000000000e+00, v18;
	v22 =	vcvt.f32.s32 v26;
	v26 =	vld.idx.msk [tilespmem:v10+s19+$0x0], $0xffff  }
0x1c4: {  	v29 =	vmax.f32 v29, $0.0e+00;
	v33 =	vmax.f32 v33, $0.0e+00;
	v31 =	vadd.f32 $1.599989990e+01, v31;
	v23 =	vld.idx.msk [tilespmem:v9+s19+$0x0], $0xffff  }
0x1c5: {  	v30 =	vmax.f32 v30, $0.0e+00;
	v35 =	vmax.f32 v24, $0.0e+00;
	v34 =	vadd.f32 $1.599989990e+01, v34;
	v24 =	vld.idx.msk [tilespmem:v8+s19+$0x0], $0xffff  }
.Ltmp5:
0x1c6: {  	v29 =	vmin.f32 v29, $3.100000000e+01;
	v32 =	vmax.f32 v32, $0.0e+00;
	v31 =	vmax.f32 v31, $0.0e+00;
	(pc) =	sbr.rel @p0 .LBB2_12-.Ltmp5, $4  }
0x1c7: {  	v33 =	vmin.f32 v33, $3.100000000e+01;
	v30 =	vmin.f32 v30, $3.100000000e+01;
	v39 =	vmax.f32 v34, $0.0e+00  }
0x1c8: {  	v40 =	vmin.f32 v35, $3.100000000e+01;
	v36 =	vmin.f32 v32, $3.100000000e+01;
	v34 =	vmin.f32 v31, $3.100000000e+01  }
0x1c9: {  	v35 =	vtrunc.f32 v29;
	v31 =	vtrunc.f32 v33;
	v33 =	vmin.f32 v39, $3.100000000e+01;
	v29 =	vld.idx.msk [tilespmem:v22+s19+$0x0], $0xffff  }
0x1ca: {  	vm0 =	vge.f32 v7, v38;
	v7 =	vmovc v37;
	v32 =	vtrunc.f32 v30;
	v30 =	vtrunc.f32 v40  }
0x1cb: {  	v35 =	vcvt.f32.s32 v35  }
0x1cc: {  	v36 =	vtrunc.f32 v36;
	v31 =	vcvt.f32.s32 v31  }
0x1cd: {  	v34 =	vtrunc.f32 v34;
	vm1 =	vge.f32 v6, v28;
	v6 =	vcvt.f32.s32 v32  }
0x1ce: {  	v28 =	vtrunc.f32 v33;
	v30 =	vcvt.f32.s32 v30;
	vm2 =	vge.f32 v20, v29  }
0x1cf: {  	vm3 =	vge.f32 v5, v27;
	v5 =	vcvt.f32.s32 v36;
	v20 =	vsel vm2, $0x1, v0  }
0x1d0: {  	v27 =	vcvt.f32.s32 v34;
	v20 =	vadd.s32 v20, v22;
	v22 =	vsel vm0, $0x1, v0  }
0x1d1: {  	v28 =	vcvt.f32.s32 v28;
	v29 =	vsel vm1, $0x1, v0;
	[tilespmem:s0+$0x8070] =	vst v20;
	v15 =	vadd.s32 v22, v15;
	v20 =	vld.idx.msk [tilespmem:v35+s19+$0x0], $0xffff  }
0x1d2: {  	v12 =	vadd.s32 v29, v12;
	vm0 =	vge.f32 v4, v25;
	v4 =	vsel vm3, $0x1, v0;
	[tilespmem:s29+$0x8000] =	vst v15;
	v15 =	vld.idx.msk [tilespmem:v31+s19+$0x0], $0xffff  }
0x1d3: {  	vm1 =	vge.f32 v3, v26;
	[tilespmem:s29+$0x8010] =	vst v12;
	v3 =	vsel vm0, $0x1, v0;
	v4 =	vadd.s32 v4, v16;
	v12 =	vld.idx.msk [tilespmem:v6+s19+$0x0], $0xffff  }
0x1d4: {  	vm0 =	vge.f32 v2, v23;
	v2 =	vsel vm1, $0x1, v0;
	v3 =	vadd.s32 v3, v13;
	[tilespmem:s29+$0x8020] =	vst v4;
	v4 =	vld.idx.msk [tilespmem:v30+s19+$0x0], $0xffff  }
0x1d5: {  	vm1 =	vge.f32 v1, v24;
	v1 =	vsel vm0, $0x1, v0;
	v2 =	vadd.s32 v2, v10;
	[tilespmem:s29+$0x8030] =	vst v3;
	v3 =	vld.idx.msk [tilespmem:v5+s19+$0x0], $0xffff  }
0x1d6: {  	v10 =	vsel vm1, $0x1, v0;
	v1 =	vadd.s32 v1, v9;
	[tilespmem:s29+$0x8040] =	vst v2;
	v2 =	vld.idx.msk [tilespmem:v27+s19+$0x0], $0xffff;
	vm0 =	vge.f32 v7, v20  }
0x1d7: {  	[tilespmem:s29+$0x8050] =	vst v1;
	v1 =	vld.idx.msk [tilespmem:v28+s19+$0x0], $0xffff;
	v7 =	vadd.s32 v10, v8;
	vm1 =	vge.f32 v21, v15;
	v8 =	vsel vm0, $0x1, v0  }
0x1d8: {  	[tilespmem:s29+$0x8060] =	vst v7;
	vm0 =	vge.f32 v19, v12;
	v7 =	vsel vm1, $0x1, v0;
	v8 =	vadd.s32 v8, v35  }
0x1d9: {  	vm1 =	vge.f32 v17, v4;
	v4 =	vsel vm0, $0x1, v0;
	[tilespmem:s0+$0x8000] =	vst v8;
	v7 =	vadd.s32 v7, v31  }
0x1da: {  	vm0 =	vge.f32 v14, v3;
	v3 =	vsel vm1, $0x1, v0;
	v4 =	vadd.s32 v4, v6;
	[tilespmem:s0+$0x8010] =	vst v7  }
0x1db: {  	vm1 =	vge.f32 v11, v2;
	v2 =	vsel vm0, $0x1, v0;
	v3 =	vadd.s32 v3, v30;
	[tilespmem:s0+$0x8020] =	vst v4  }
0x1dc: {  	vm0 =	vge.f32 v18, v1;
	v1 =	vsel vm1, $0x1, v0;
	v2 =	vadd.s32 v2, v5;
	[tilespmem:s0+$0x8030] =	vst v3  }
0x1dd: {  	v3 =	vsel vm0, $0x1, v0;
	v1 =	vadd.s32 v1, v27;
	[tilespmem:s0+$0x8040] =	vst v2  }
0x1de: {  	v2 =	vadd.s32 v3, v28;
	[tilespmem:s0+$0x8050] =	vst v1  }
0x1df: {  	s11 =	simm.s32 $0x0;
	[tilespmem:s0+$0x8060] =	vst v2  }
0x1e0: {  	[hbm4b:s15+s11] =	stream.linear.scatter [tilespmem:s22], [sflag:$0x3], $0x4000, $0x38;
	[tilespmem:$0x10080] =	vst v63  }
0x1e1: {  	_ =	swait.ge [sflag:s23], $0x4000  }
0x1e2: {  	[sflag:s23] =	ssyncset.done $0x0  }
0x1e3: {  	s1 =	simm.s32 $0x0;
	[sflag:s23] =	ssyncadd.s32 $0xFFFFC000  }
0x1e4: {  	s1 =	sand.u32 $0x2000, s1;
	s3 =	sand.u32 $0x1C00, s11;
	_ =	swait.ge [sflag:s26], $0x4000  }
0x1e5: {  	s1 =	sor.u32 s1, s3;
	s0 =	sand.u32 $0x380, s11;
	[sflag:s26] =	ssyncset.done $0x0  }
0x1e6: {  	s29 =	sor.u32 s0, s1;
	[sflag:s26] =	ssyncadd.s32 $0xFFFFC000  }
0x1e7: {  	v11 =	vld [tilespmem:s29+$0x4070]  }
0x1e8: {  	v37 =	vld [tilespmem:s29+$0x4000]  }
0x1e9: {  	v6 =	vld [tilespmem:s29+$0x4010]  }
0x1ea: {  	v5 =	vld [tilespmem:s29+$0x4020]  }
0x1eb: {  	v4 =	vld [tilespmem:s29+$0x4030]  }
0x1ec: {  	v3 =	vld [tilespmem:s29+$0x4040]  }
0x1ed: {  	v2 =	vld [tilespmem:s29+$0x4050];
	_ =	sdelay $0x1  }
0x1ee: {  	v1 =	vmul.f32 $5.000000000e+00, v11  }
0x1ef: {  	v7 =	vmul.f32 $5.000000000e+00, v37;
	v9 =	vmul.f32 $5.000000000e+00, v6  }
0x1f0: {  	v10 =	vmul.f32 $5.000000000e+00, v5;
	v12 =	vmul.f32 $5.000000000e+00, v4;
	v8 =	vadd.f32 $1.599989990e+01, v1  }
0x1f1: {  	v13 =	vmul.f32 $5.000000000e+00, v3;
	v14 =	vmul.f32 $5.000000000e+00, v2  }
0x1f2: {  	v7 =	vadd.f32 $1.599989990e+01, v7;
	v9 =	vadd.f32 $1.599989990e+01, v9;
	v8 =	vmax.f32 v8, $0.0e+00  }
0x1f3: {  	v1 =	vld [tilespmem:s29+$0x4060];
	v10 =	vadd.f32 $1.599989990e+01, v10;
	v12 =	vadd.f32 $1.599989990e+01, v12;
	v8 =	vmin.f32 v8, $3.100000000e+01  }
0x1f4: {  	s3 =	simm.s32 $0x400;
	s1 =	simm.s32 $0x80;
	v14 =	vadd.f32 $1.599989990e+01, v14;
	v7 =	vmax.f32 v7, $0.0e+00;
	v8 =	vtrunc.f32 v8  }
0x1f5: {  	s8 =	simm.s32 $0x10;
	s10 =	sand.u32 $0x1C00, s3;
	s30 =	sand.u32 $0x2000, s1;
	v9 =	vmax.f32 v9, $0.0e+00;
	v10 =	vmax.f32 v10, $0.0e+00;
	v22 =	vcvt.f32.s32 v8  }
0x1f6: {  	s31 =	sand.u32 $0x380, s8;
	s0 =	sor.u32 s30, s10;
	v12 =	vmax.f32 v12, $0.0e+00;
	v14 =	vmax.f32 v14, $0.0e+00;
	v7 =	vmin.f32 v7, $3.100000000e+01  }
0x1f7: {  	s0 =	sor.u32 s31, s0;
	v9 =	vmin.f32 v9, $3.100000000e+01;
	v10 =	vmin.f32 v10, $3.100000000e+01;
	v12 =	vmin.f32 v12, $3.100000000e+01  }
0x1f8: {  	v20 =	vld [tilespmem:s0+$0x4070];
	v15 =	vtrunc.f32 v7;
	v8 =	vadd.f32 $1.599989990e+01, v13;
	v13 =	vmul.f32 $5.000000000e+00, v1  }
0x1f9: {  	v21 =	vld [tilespmem:s0+$0x4010];
	v9 =	vtrunc.f32 v9;
	v7 =	vmin.f32 v14, $3.100000000e+01;
	v15 =	vcvt.f32.s32 v15  }
0x1fa: {  	v23 =	vtrunc.f32 v7;
	v7 =	vld [tilespmem:s0+$0x4000];
	v13 =	vadd.f32 $1.599989990e+01, v13;
	v8 =	vmax.f32 v8, $0.0e+00  }
0x1fb: {  	v10 =	vtrunc.f32 v10;
	v14 =	vtrunc.f32 v12;
	v8 =	vmin.f32 v8, $3.100000000e+01;
	v18 =	vld.idx.msk [tilespmem:v22+s19+$0x0], $0xffff  }
0x1fc: {  	v19 =	vld [tilespmem:s0+$0x4020];
	v16 =	vcvt.f32.s32 v10;
	v13 =	vmax.f32 v13, $0.0e+00;
	v8 =	vtrunc.f32 v8  }
0x1fd: {  	v17 =	vld [tilespmem:s0+$0x4030];
	v12 =	vmin.f32 v13, $3.100000000e+01;
	v13 =	vcvt.f32.s32 v14;
	v10 =	vcvt.f32.s32 v8  }
0x1fe: {  	v14 =	vld [tilespmem:s0+$0x4040];
	v24 =	vtrunc.f32 v12;
	v12 =	vcvt.f32.s32 v9  }
0x1ff: {  	v9 =	vcvt.f32.s32 v23;
	v23 =	vmul.f32 $5.000000000e+00, v20;
	v38 =	vld.idx.msk [tilespmem:v15+s19+$0x0], $0xffff  }
0x200: {  	v8 =	vcvt.f32.s32 v24;
	v24 =	vmul.f32 $5.000000000e+00, v7;
	vm0 =	vge.f32 v11, v18;
	v11 =	vld [tilespmem:s0+$0x4050]  }
0x201: {  	v26 =	vmul.f32 $5.000000000e+00, v21;
	v23 =	vadd.f32 $1.599989990e+01, v23;
	v18 =	vld [tilespmem:s0+$0x4060];
	v25 =	vsel vm0, $0x1, v0  }
0x202: {  	v24 =	vadd.f32 $1.599989990e+01, v24;
	v29 =	vadd.s32 v25, v22;
	v22 =	vmul.f32 $5.000000000e+00, v19  }
0x203: {  	v23 =	vmax.f32 v23, $0.0e+00;
	v25 =	vadd.f32 $1.599989990e+01, v26;
	v26 =	vmul.f32 $5.000000000e+00, v17  }
0x204: {  	v23 =	vmin.f32 v23, $3.100000000e+01;
	v30 =	vadd.f32 $1.599989990e+01, v22;
	v22 =	vmul.f32 $5.000000000e+00, v14  }
0x205: {  	v23 =	vtrunc.f32 v23;
	vm0 =	vge.f32 v37, v38;
	v26 =	vadd.f32 $1.599989990e+01, v26  }
0x206: {  	v27 =	vmul.f32 $5.000000000e+00, v11;
	v60 =	vmul.f32 $5.000000000e+00, v18;
	v31 =	vadd.f32 $1.599989990e+01, v22  }
0x207: {  	v28 =	vld.idx.msk [tilespmem:v12+s19+$0x0], $0xffff;
	v22 =	vcvt.f32.s32 v23;
	v23 =	vmax.f32 v24, $0.0e+00;
	v24 =	vmax.f32 v25, $0.0e+00  }
0x208: {  	v30 =	vmax.f32 v30, $0.0e+00;
	v62 =	vmax.f32 v26, $0.0e+00;
	v25 =	vld.idx.msk [tilespmem:v13+s19+$0x0], $0xffff;
	v61 =	vadd.f32 $1.599989990e+01, v27  }
0x209: {  	v26 =	vld.idx.msk [tilespmem:v10+s19+$0x0], $0xffff;
	v32 =	vadd.f32 $1.599989990e+01, v60;
	v63 =	vmin.f32 v23, $3.100000000e+01;
	v39 =	vmin.f32 v24, $3.100000000e+01  }
0x20a: {  	v27 =	vld.idx.msk [tilespmem:v16+s19+$0x0], $0xffff;
	v30 =	vmin.f32 v30, $3.100000000e+01;
	v40 =	vmin.f32 v62, $3.100000000e+01;
	v31 =	vmax.f32 v31, $0.0e+00  }
0x20b: {  	v23 =	vld.idx.msk [tilespmem:v9+s19+$0x0], $0xffff;
	v35 =	vtrunc.f32 v63;
	v33 =	vmax.f32 v61, $0.0e+00;
	v32 =	vmax.f32 v32, $0.0e+00  }
0x20c: {  	v24 =	vld.idx.msk [tilespmem:v8+s19+$0x0], $0xffff;
	v36 =	vmin.f32 v31, $3.100000000e+01;
	v31 =	vtrunc.f32 v39;
	v34 =	vmin.f32 v33, $3.100000000e+01  }
0x20d: {  	[tilespmem:s29+$0xC070] =	vst v29;
	v33 =	vmin.f32 v32, $3.100000000e+01;
	v32 =	vtrunc.f32 v30;
	v30 =	vtrunc.f32 v40;
	v29 =	vld.idx.msk [tilespmem:v22+s19+$0x0], $0xffff  }
.LBB2_14:
0x20e: {  	s1 =	sadd.s32 $0x80, s1;
	v36 =	vtrunc.f32 v36;
	v34 =	vtrunc.f32 v34;
	s3 =	sadd.s32 $0x400, s3;
	vm1 =	vge.f32 v6, v28;
	v6 =	vmovc v21  }
0x20f: {  	v28 =	vcvt.f32.s32 v35;
	v21 =	vtrunc.f32 v33;
	s8 =	sadd.s32 $0x10, s8;
	vm2 =	vge.f32 v5, v27;
	v5 =	vmovc v19;
	s10 =	sand.u32 $0x2000, s1;
	s11 =	sand.u32 $0x1C00, s3  }
0x210: {  	v27 =	vcvt.f32.s32 v31;
	v31 =	vcvt.f32.s32 v32;
	vm3 =	vge.f32 v4, v25;
	v4 =	vmovc v17;
	p0 =	slt.u32 s1, $0x3F80;
	s10 =	sor.u32 s10, s11;
	s11 =	sand.u32 $0x380, s8  }
0x211: {  	v25 =	vcvt.f32.s32 v30;
	vm4 =	vge.f32 v3, v26;
	v3 =	vmovc v14;
	v30 =	vcvt.f32.s32 v36;
	s10 =	sor.u32 s11, s10  }
0x212: {  	v26 =	vcvt.f32.s32 v34;
	v32 =	vcvt.f32.s32 v21;
	vm5 =	vge.f32 v20, v29;
	v20 =	vld [tilespmem:s10+$0x4070]  }
0x213: {  	vm6 =	vge.f32 v1, v24;
	v1 =	vmovc v18;
	v14 =	vsel vm5, $0x1, v0;
	vm5 =	vge.f32 v2, v23;
	v2 =	vmovc v11;
	v37 =	vld [tilespmem:s10+$0x4000]  }
0x214: {  	v18 =	vsel vm1, $0x1, v0;
	v11 =	vadd.s32 v14, v22;
	v14 =	vsel vm0, $0x1, v0;
	v21 =	vld [tilespmem:s10+$0x4010]  }
0x215: {  	v23 =	vsel vm4, $0x1, v0;
	v22 =	vsel vm3, $0x1, v0;
	v19 =	vld [tilespmem:s10+$0x4020];
	[tilespmem:s0+$0xC070] =	vst v11;
	v11 =	vsel vm2, $0x1, v0  }
0x216: {  	v33 =	vsel vm6, $0x1, v0;
	v29 =	vsel vm5, $0x1, v0;
	v24 =	vadd.s32 v14, v15;
	v15 =	vmovc v28;
	v17 =	vld [tilespmem:s10+$0x4030]  }
0x217: {  	v18 =	vadd.s32 v18, v12;
	v12 =	vmovc v27;
	v14 =	vld [tilespmem:s10+$0x4040];
	v34 =	vmul.f32 $5.000000000e+00, v20;
	[tilespmem:s29+$0xC000] =	vst v24;
	v24 =	vadd.s32 v11, v16  }
0x218: {  	v23 =	vadd.s32 v23, v10;
	v22 =	vadd.s32 v22, v13;
	v16 =	vmovc v31;
	v35 =	vmul.f32 $5.000000000e+00, v37;
	v11 =	vld [tilespmem:s10+$0x4050];
	[tilespmem:s29+$0xC010] =	vst v18  }
0x219: {  	v10 =	vmovc v30;
	v13 =	vmovc v25;
	v36 =	vmul.f32 $5.000000000e+00, v21;
	v18 =	vld [tilespmem:s10+$0x4060];
	v34 =	vadd.f32 $1.599989990e+01, v34;
	[tilespmem:s29+$0xC020] =	vst v24;
	v24 =	vadd.s32 v29, v9  }
0x21a: {  	v9 =	vmovc v26;
	v29 =	vadd.f32 $1.599989990e+01, v35;
	v30 =	vmul.f32 $5.000000000e+00, v19;
	v38 =	vld.idx.msk [tilespmem:v28+s19+$0x0], $0xffff;
	[tilespmem:s29+$0xC030] =	vst v22;
	v22 =	vadd.s32 v33, v8  }
0x21b: {  	v8 =	vmovc v32;
	v33 =	vadd.f32 $1.599989990e+01, v36;
	v26 =	vmul.f32 $5.000000000e+00, v17;
	v34 =	vmax.f32 v34, $0.0e+00;
	v28 =	vld.idx.msk [tilespmem:v27+s19+$0x0], $0xffff;
	[tilespmem:s29+$0xC040] =	vst v23  }
0x21c: {  	v30 =	vadd.f32 $1.599989990e+01, v30;
	v23 =	vmul.f32 $5.000000000e+00, v14;
	v32 =	vmin.f32 v34, $3.100000000e+01;
	v27 =	vld.idx.msk [tilespmem:v31+s19+$0x0], $0xffff;
	[tilespmem:s29+$0xC050] =	vst v24  }
0x21d: {  	v24 =	vadd.f32 $1.599989990e+01, v26;
	v31 =	vmul.f32 $5.000000000e+00, v11;
	v26 =	vtrunc.f32 v32;
	v25 =	vld.idx.msk [tilespmem:v25+s19+$0x0], $0xffff;
	[tilespmem:s29+$0xC060] =	vst v22;
	s29 =	smov.u32 s0;
	s0 =	smov.u32 s10  }
0x21e: {  	v32 =	vadd.f32 $1.599989990e+01, v23;
	v34 =	vmul.f32 $5.000000000e+00, v18;
	v22 =	vcvt.f32.s32 v26;
	v26 =	vld.idx.msk [tilespmem:v10+s19+$0x0], $0xffff  }
0x21f: {  	v29 =	vmax.f32 v29, $0.0e+00;
	v33 =	vmax.f32 v33, $0.0e+00;
	v31 =	vadd.f32 $1.599989990e+01, v31;
	v23 =	vld.idx.msk [tilespmem:v9+s19+$0x0], $0xffff  }
0x220: {  	v30 =	vmax.f32 v30, $0.0e+00;
	v35 =	vmax.f32 v24, $0.0e+00;
	v34 =	vadd.f32 $1.599989990e+01, v34;
	v24 =	vld.idx.msk [tilespmem:v8+s19+$0x0], $0xffff  }
.Ltmp6:
0x221: {  	v29 =	vmin.f32 v29, $3.100000000e+01;
	v32 =	vmax.f32 v32, $0.0e+00;
	v31 =	vmax.f32 v31, $0.0e+00;
	(pc) =	sbr.rel @p0 .LBB2_14-.Ltmp6, $4  }
0x222: {  	v33 =	vmin.f32 v33, $3.100000000e+01;
	v30 =	vmin.f32 v30, $3.100000000e+01;
	v39 =	vmax.f32 v34, $0.0e+00  }
0x223: {  	v40 =	vmin.f32 v35, $3.100000000e+01;
	v36 =	vmin.f32 v32, $3.100000000e+01;
	v34 =	vmin.f32 v31, $3.100000000e+01  }
0x224: {  	v35 =	vtrunc.f32 v29;
	v31 =	vtrunc.f32 v33;
	v33 =	vmin.f32 v39, $3.100000000e+01;
	v29 =	vld.idx.msk [tilespmem:v22+s19+$0x0], $0xffff  }
0x225: {  	vm0 =	vge.f32 v7, v38;
	v7 =	vmovc v37;
	v32 =	vtrunc.f32 v30;
	v30 =	vtrunc.f32 v40  }
0x226: {  	v35 =	vcvt.f32.s32 v35  }
0x227: {  	v36 =	vtrunc.f32 v36;
	v31 =	vcvt.f32.s32 v31  }
0x228: {  	v34 =	vtrunc.f32 v34;
	vm1 =	vge.f32 v6, v28;
	v48 =	vcvt.f32.s32 v32  }
0x229: {  	v49 =	vtrunc.f32 v33;
	v30 =	vcvt.f32.s32 v30;
	vm3 =	vge.f32 v5, v27  }
0x22a: {  	v52 =	vsel vm0, $0x1, v0;
	vm5 =	vge.f32 v4, v25;
	v50 =	vcvt.f32.s32 v36  }
0x22b: {  	v51 =	vcvt.f32.s32 v34;
	v53 =	vsel vm1, $0x1, v0;
	v15 =	vadd.s32 v52, v15  }
0x22c: {  	v28 =	vcvt.f32.s32 v49;
	v55 =	vsel vm3, $0x1, v0;
	[tilespmem:s29+$0xC000] =	vst v15;
	v12 =	vadd.s32 v53, v12;
	v54 =	vld.idx.msk [tilespmem:v35+s19+$0x0], $0xffff  }
0x22d: {  	vm6 =	vge.f32 v3, v26;
	v3 =	vsel vm5, $0x1, v0;
	v4 =	vadd.s32 v55, v16;
	[tilespmem:s29+$0xC010] =	vst v12;
	v56 =	vld.idx.msk [tilespmem:v31+s19+$0x0], $0xffff  }
0x22e: {  	vm7 =	vge.f32 v2, v23;
	v2 =	vsel vm6, $0x1, v0;
	v3 =	vadd.s32 v3, v13;
	[tilespmem:s29+$0xC020] =	vst v4;
	v57 =	vld.idx.msk [tilespmem:v48+s19+$0x0], $0xffff  }
0x22f: {  	vm8 =	vge.f32 v1, v24;
	v1 =	vsel vm7, $0x1, v0;
	v2 =	vadd.s32 v2, v10;
	[tilespmem:s29+$0xC030] =	vst v3;
	v58 =	vld.idx.msk [tilespmem:v30+s19+$0x0], $0xffff  }
0x230: {  	v59 =	vsel vm8, $0x1, v0;
	v1 =	vadd.s32 v1, v9;
	vm2 =	vge.f32 v20, v29;
	[tilespmem:s29+$0xC040] =	vst v2;
	v3 =	vld.idx.msk [tilespmem:v50+s19+$0x0], $0xffff  }
0x231: {  	v60 =	vadd.s32 v59, v8;
	[tilespmem:s29+$0xC050] =	vst v1;
	v20 =	vsel vm2, $0x1, v0;
	v2 =	vld.idx.msk [tilespmem:v51+s19+$0x0], $0xffff;
	vm9 =	vge.f32 v7, v54  }
0x232: {  	[tilespmem:s29+$0xC060] =	vst v60;
	v20 =	vadd.s32 v20, v22;
	v1 =	vld.idx.msk [tilespmem:v28+s19+$0x0], $0xffff;
	vm10 =	vge.f32 v21, v56;
	v61 =	vsel vm9, $0x1, v0  }
0x233: {  	[tilespmem:s0+$0xC070] =	vst v20;
	vm11 =	vge.f32 v19, v57;
	v62 =	vsel vm10, $0x1, v0;
	v8 =	vadd.s32 v61, v35  }
0x234: {  	vm12 =	vge.f32 v17, v58;
	v63 =	vsel vm11, $0x1, v0;
	v7 =	vadd.s32 v62, v31;
	[tilespmem:s0+$0xC000] =	vst v8  }
0x235: {  	vm13 =	vge.f32 v14, v3;
	v3 =	vsel vm12, $0x1, v0;
	v4 =	vadd.s32 v63, v48;
	[tilespmem:s0+$0xC010] =	vst v7  }
0x236: {  	vm14 =	vge.f32 v11, v2;
	v2 =	vsel vm13, $0x1, v0;
	v3 =	vadd.s32 v3, v30;
	[tilespmem:s0+$0xC020] =	vst v4  }
0x237: {  	vm15 =	vge.f32 v18, v1;
	v1 =	vsel vm14, $0x1, v0;
	v2 =	vadd.s32 v2, v50;
	[tilespmem:s0+$0xC030] =	vst v3  }
0x238: {  	v3 =	vsel vm15, $0x1, v0;
	v1 =	vadd.s32 v1, v51;
	[tilespmem:s0+$0xC040] =	vst v2  }
0x239: {  	v2 =	vadd.s32 v3, v28;
	[tilespmem:s0+$0xC050] =	vst v1  }
0x23a: {  	s28 =	sadd.s32 $0x1, s28;
	[tilespmem:s0+$0xC060] =	vst v2  }
0x23b: {  	[hbm4b:s16+s5] =	stream.linear.scatter [tilespmem:s24], [sflag:$0x4], $0x4000, $0x38;
	[tilespmem:$0x10080] =	vst v63  }
0x23c: {  	p0 =	sne.s32 s28, s17;
	_ =	swait.ge [sflag:s25], $0x4000  }
.Ltmp7:
0x23d: {  	[sflag:s25] =	ssyncset.done $0x0;
	(pc) =	sbr.rel @p0 .LBB2_1-.Ltmp7, $4  }
0x23e: {  	[sflag:s25] =	ssyncadd.s32 $0xFFFFC000  }
0x23f: {  	_ =	swait.ge [sflag:s26], $0x4000  }
0x240: {  	[sflag:s26] =	ssyncset.done $0x0  }
0x241: {  	[sflag:s26] =	ssyncadd.s32 $0xFFFFC000  }
0x242: {  	_ =	sfence.sel $0x180000  }
0x243: {  	[bflag:$0x0] =	sbarrier.arrive $0xFFFF  }
0x244: {  	_ =	strace $0x90000047  }
0x245: {  	s0 =	stileid.u32;
	[bflag:$0x2] =	sbarrier.arrive $0xFFFF  }
0x246: {  	p0 =	sne.s32 s0, $0x0;
	s0 =	rddreg [dreg:$0x3]  }
0x247: {  	s0 =	sadd.s32 @!p0 $0x100000, s0  }
0x248: {  	[sflag:s0] =	ssyncadd.tile.s32 @!p0 $0x1;
	_ =	shalt  }
.Lfunc_end2:
_tile_overlayer_lowered:
.L_overlay_start_2:
0x249: {  	(tag) =	ssettag $0x2  }
0x24a: {  	s0 =	rddreg [dreg:$0x0];
	s2 =	stileid.u32  }
0x24b: {  	s1 =	rddreg [dreg:$0x1];
	p0 =	sne.s32 s2, $0x0  }
0x24c: {  	s3 =	rddreg [dreg:$0x2];
	[bflag:$0x3] =	sbarrier.arrive $0xFFFF;
	s2 =	simm.s32 @!p0 $0x1C05  }
0x24d: {  	[timem:s3], [sflag:s2] =	dma.local @!p0 [hbm:s0], s1  }
0x24e: {  	s0 =	simm.s32 @!p0 $0x5  }
0x24f: {  	_ =	swait.ge @!p0 [sflag:s0], s1  }
0x250: {  	s1 =	ssub.s32 @!p0 $0x0, s1;
	[sflag:s0] =	ssyncset.done @!p0 $0x0  }
0x251: {  	[sflag:s0] =	ssyncadd.s32 @!p0 s1  }
0x252: {  	[bflag:$0x3] =	sbarrier.arrive $0xFFFF  }
0x253: {  	_ =	shalt  }

</sc_bundles>
